<compile_context>
chip_gen: v7x
topology: tpu7x:2x2x1
jax: 0.10.2.dev20260603
libtpu: 0.0.44.dev20260713+nightly
codegen_flags: <defaults>
</compile_context>

<pallas_src>
import functools

import jax
import jax.numpy as jnp
from jax import lax
from jax.experimental import pallas as pl
from jax.experimental.pallas import tpu as pltpu
from jax.experimental.pallas import tpu_sc as plsc

NX, NY, NZ = 432, 496, 1
C = 64
BATCH = 4
PPS = 16000
P = BATCH * PPS
S = NY * NX
NC, NS = 2, 16
NW = NC * NS
NPB = NW // BATCH
RNG = S // NPB
CK = 2000
NCHUNK = PPS // CK
ZSLOT = PPS
FB = PPS + 16

_mesh = plsc.VectorSubcoreMesh(
    core_axis_name="core", subcore_axis_name="sub",
    num_cores=NC, num_subcores=NS)


@functools.partial(
    pl.kernel,
    mesh=_mesh,
    out_type=jax.ShapeDtypeStruct((BATCH * C * S,), jnp.float32),
    compiler_params=pltpu.CompilerParams(needs_layout_passes=False),
    scratch_types=[
        pltpu.VMEM((RNG,), jnp.int32),
        pltpu.VMEM((CK * 4,), jnp.int32),
        pltpu.VMEM((FB,), jnp.float32),
        pltpu.VMEM((RNG,), jnp.float32),
        pltpu.VMEM((16,), jnp.int32),
    ],
)
def _pp_scatter(feat_t, coords, out, w_v, coords_v, feat_v, out_v, bounce_v):
    wid = lax.axis_index("sub") * NC + lax.axis_index("core")
    b = wid // NPB
    lo = (wid % NPB) * RNG
    lanes = lax.iota(jnp.int32, 16)

    def init_body(i, carry):
        w_v[pl.ds(i * 16, 16)] = jnp.full((16,), ZSLOT, jnp.int32)
        return carry
    lax.fori_loop(0, RNG // 16, init_body, 0)

    def chunk_body(k, carry):
        pltpu.sync_copy(coords.at[pl.ds((b * PPS + k * CK) * 4, CK * 4)],
                        coords_v)

        def vec_body(j, inner):
            row = j * 16 + lanes
            y = plsc.load_gather(coords_v, [row * 4 + 2])
            x = plsc.load_gather(coords_v, [row * 4 + 3])
            s = y * NX + x
            q = k * CK + row
            key = plsc.bitcast(jnp.left_shift(s, 14) | q, jnp.uint32)
            skey, sq = plsc.sort_key_val(key, q)
            ss = plsc.bitcast(jnp.right_shift(skey, jnp.uint32(14)), jnp.int32)
            bounce_v[...] = ss
            nxt = plsc.load_gather(bounce_v, [jnp.minimum(lanes + 1, 15)])
            win = (ss != nxt) | (lanes == 15)
            mask = win & (ss >= lo) & (ss < lo + RNG)
            idxs = jnp.clip(ss - lo, 0, RNG - 1)
            plsc.store_scatter(w_v, [idxs], sq, mask=mask)
            return inner
        lax.fori_loop(0, CK // 16, vec_body, 0)
        return carry
    lax.fori_loop(0, NCHUNK, chunk_body, 0)

    feat_v[pl.ds(ZSLOT, 16)] = jnp.zeros((16,), jnp.float32)

    def chan_body(c, carry):
        pltpu.sync_copy(feat_t.at[pl.ds(c * P + b * PPS, PPS)],
                        feat_v.at[pl.ds(0, PPS)])

        def gat_body(i, inner):
            w = w_v[pl.ds(i * 16, 16)]
            out_v[pl.ds(i * 16, 16)] = plsc.load_gather(feat_v, [w])
            return inner
        lax.fori_loop(0, RNG // 16, gat_body, 0)
        pltpu.sync_copy(out_v, out.at[pl.ds((b * C + c) * S + lo, RNG)])
        return carry
    lax.fori_loop(0, C, chan_body, 0)


def kernel(pillar_features, voxel_coords):
    feat_t = pillar_features.T.reshape(-1)
    coords = voxel_coords.astype(jnp.int32).reshape(-1)
    out = _pp_scatter(feat_t, coords)
    return out.reshape(BATCH, C * NZ, NY, NX)

# --- scband reference (transcript-rebuilt; emitter-appended) ---
"""Pipeline reference for scband-point-pillar-scatter-70970039599805 (READ-ONLY COPY).

The authoritative reference and input builder live on the scoring server;
editing this copy changes nothing except your own understanding.
"""

import jax, jax.numpy as jnp
import numpy as np

NX, NY, NZ = 432, 496, 1
C = 64
BATCH = 4
PILLARS_PER_SAMPLE = 16000
P = BATCH * PILLARS_PER_SAMPLE


def setup_inputs(seed: int = 0) -> dict:
    key = jax.random.key(seed)
    k_feat, k_y, k_x = jax.random.split(key, 3)
    pillar_features = jax.random.normal(k_feat, (P, C), dtype=jnp.float32)
    # coords layout per OpenPCDet: (batch_idx, z, y, x)
    b = jnp.repeat(jnp.arange(BATCH, dtype=jnp.int64), PILLARS_PER_SAMPLE)
    z = jnp.zeros((P,), dtype=jnp.int64)  # nz == 1
    y = jax.random.randint(k_y, (P,), 0, NY, dtype=jnp.int64)
    x = jax.random.randint(k_x, (P,), 0, NX, dtype=jnp.int64)
    voxel_coords = jnp.stack([b, z, y, x], axis=1)
    return {"pillar_features": pillar_features, "voxel_coords": voxel_coords}


def reference(pillar_features, voxel_coords):
    # batch_size = coords[:, 0].max() + 1; statically equal to the number of
    # per-sample pillar blocks present in voxel_coords' leading dimension
    batch_size = voxel_coords.shape[0] // PILLARS_PER_SAMPLE
    S = NZ * NX * NY  # spatial canvas size per channel
    # indices = coords[:,1] + coords[:,2]*nx + coords[:,3]  (z + y*nx + x)
    spatial_idx = voxel_coords[:, 1] + voxel_coords[:, 2] * NX + voxel_coords[:, 3]
    flat_idx = voxel_coords[:, 0] * S + spatial_idx
    # scatter-overwrite pillar features into per-batch BEV canvas
    canvas = jnp.zeros((batch_size * S, C), dtype=pillar_features.dtype)
    canvas = canvas.at[flat_idx].set(pillar_features)
    # [B*S, C] -> [B, S, C] -> [B, C, S] -> [B, C*nz, ny, nx]
    out = canvas.reshape(batch_size, S, C).transpose(0, 2, 1)
    out = out.reshape(batch_size, C * NZ, NY, NX)
    return out

if __name__ == "__main__":
    import jax
    _d = setup_inputs()
    print(jax.jit(kernel)(*tuple(_d.values())))

</pallas_src>

<mosaic_0001>
#map = affine_map<(d0, d1) -> (0)>
module attributes {stable_mosaic.version = 14 : i64} {
  func.func @_pp_scatter(%arg0: i32, %arg1: i32, %arg2: memref<4096000xf32, #tpu.memory_space<hbm>>, %arg3: memref<256000xi32, #tpu.memory_space<hbm>>, %arg4: memref<54853632xf32, #tpu.memory_space<hbm>>, %arg5: memref<26784xi32, #tpu.memory_space<vmem>>, %arg6: memref<8000xi32, #tpu.memory_space<vmem>>, %arg7: memref<16016xf32, #tpu.memory_space<vmem>>, %arg8: memref<26784xf32, #tpu.memory_space<vmem>>, %arg9: memref<16xi32, #tpu.memory_space<vmem>>) attributes {dimension_semantics = [#tpu.dimension_semantics<core_parallel>, #tpu.dimension_semantics<subcore_parallel>], iteration_bounds = array<i64: 2, 16>, scalar_prefetch = 0 : i64, scratch_operands = 5 : i64, tpu.core_type = #tpu.core_type<sc_vector_subcore>, window_params = [{transform_indices = #map}, {transform_indices = #map}, {transform_indices = #map}]} {
    %mul3A = arith.constant 2 : i32
    %mul3A_0 = arith.muli %arg1, %mul3A : i32
    %add3A = arith.addi %mul3A_0, %arg0 : i32
    %jit3A = arith.constant 8 : i32
    %div3A = arith.divsi %add3A, %jit3A : i32
    %sign3A = arith.constant 0 : i32
    %sign3A_1 = arith.cmpi sgt, %add3A, %sign3A : i32
    %sign3A_2 = arith.extui %sign3A_1 : i1 to i32
    %sign3A_3 = arith.constant 0 : i32
    %sign3A_4 = arith.cmpi slt, %add3A, %sign3A_3 : i32
    %sign3A_5 = arith.extui %sign3A_4 : i1 to i32
    %sign3A_6 = arith.subi %sign3A_2, %sign3A_5 : i32
    %sign3A_7 = arith.constant 0 : i32
    %sign3A_8 = arith.cmpi sgt, %jit3A, %sign3A_7 : i32
    %sign3A_9 = arith.extui %sign3A_8 : i1 to i32
    %sign3A_10 = arith.constant 0 : i32
    %sign3A_11 = arith.cmpi slt, %jit3A, %sign3A_10 : i32
    %sign3A_12 = arith.extui %sign3A_11 : i1 to i32
    %sign3A_13 = arith.subi %sign3A_9, %sign3A_12 : i32
    %ne3A = arith.cmpi ne, %sign3A_6, %sign3A_13 : i32
    %rem3A = arith.remsi %add3A, %jit3A : i32
    %ne3A_14 = arith.constant 0 : i32
    %ne3A_15 = arith.cmpi ne, %rem3A, %ne3A_14 : i32
    %and3A = arith.andi %ne3A, %ne3A_15 : i1
    %sub3A = arith.constant 1 : i32
    %sub3A_16 = arith.subi %div3A, %sub3A : i32
    %select_n3A = arith.select %and3A, %sub3A_16, %div3A : i32
    %jit3A_17 = arith.constant 8 : i32
    %eq3A = arith.constant 0 : i32
    %eq3A_18 = arith.cmpi eq, %jit3A_17, %eq3A : i32
    %jit3A_19 = arith.constant 1 : i32
    %select_n3A_20 = arith.select %eq3A_18, %jit3A_19, %jit3A_17 : i32
    %rem3A_21 = arith.remsi %add3A, %select_n3A_20 : i32
    %ne3A_22 = arith.constant 0 : i32
    %ne3A_23 = arith.cmpi ne, %rem3A_21, %ne3A_22 : i32
    %lt3A = arith.constant 0 : i32
    %lt3A_24 = arith.cmpi slt, %rem3A_21, %lt3A : i32
    %lt3A_25 = arith.constant 0 : i32
    %lt3A_26 = arith.cmpi slt, %select_n3A_20, %lt3A_25 : i32
    %ne3A_27 = arith.xori %lt3A_24, %lt3A_26 : i1
    %and3A_28 = arith.andi %ne3A_27, %ne3A_23 : i1
    %add3A_29 = arith.addi %rem3A_21, %select_n3A_20 : i32
    %select_n3A_30 = arith.select %and3A_28, %add3A_29, %rem3A_21 : i32
    %mul3A_31 = arith.constant 26784 : i32
    %mul3A_32 = arith.muli %select_n3A_30, %mul3A_31 : i32
    %iota3A = tpu.iota {dimensions = array<i32: 0>} : vector<16xi32>
    %scan3A = arith.constant 0 : i32
    %scan3A_33 = arith.constant 0 : i32
    %scan3A_34 = arith.constant 1674 : i32
    %scan3A_35 = arith.addi %scan3A_33, %scan3A_34 : i32
    %scan3A_36 = arith.constant 1 : i32
    scf.for %scan3A_52 = %scan3A_33 to %scan3A_35 step %scan3A_36  : i32 {
      %broadcast_in_dim3A_53 = arith.constant 16000 : i32
      %broadcast_in_dim3A_54 = vector.broadcast %broadcast_in_dim3A_53 : i32 to vector<16xi32>
      %mul3A_55 = arith.constant 16 : i32
      %mul3A_56 = arith.muli %scan3A_52, %mul3A_55 : i32
      %swap3A_57 = arith.index_cast %mul3A_56 : i32 to index
      %swap3A_58 = tpu.vector_load %arg5[%swap3A_57] {strides = array<i32>} : memref<26784xi32, #tpu.memory_space<vmem>>, vector<16xi32>,
      tpu.vector_store %arg5[%swap3A_57], %broadcast_in_dim3A_54 {strides = array<i32>} : memref<26784xi32, #tpu.memory_space<vmem>>, vector<16xi32>,
    }
    %scan3A_37 = arith.constant 1674 : i32
    %scan3A_38 = arith.constant 0 : i32
    %scan3A_39 = arith.constant 0 : i32
    %scan3A_40 = arith.constant 8 : i32
    %scan3A_41 = arith.addi %scan3A_39, %scan3A_40 : i32
    %scan3A_42 = arith.constant 1 : i32
    scf.for %scan3A_52 = %scan3A_39 to %scan3A_41 step %scan3A_42  : i32 {
      %mul3A_53 = arith.constant 16000 : i32
      %mul3A_54 = arith.muli %select_n3A, %mul3A_53 : i32
      %mul3A_55 = arith.constant 2000 : i32
      %mul3A_56 = arith.muli %scan3A_52, %mul3A_55 : i32
      %add3A_57 = arith.addi %mul3A_54, %mul3A_56 : i32
      %mul3A_58 = arith.constant 4 : i32
      %mul3A_59 = arith.muli %add3A_57, %mul3A_58 : i32
      "tpu.region"() ({
        %run_scoped3A = tpu.sem_alloc : memref<!tpu.dma_semaphore, #tpu.memory_space<semaphore_mem>>
        %dma_start3A = tpu.memref_slice %arg3[%mul3A_59] : memref<256000xi32, #tpu.memory_space<hbm>> -> memref<8000xi32, #tpu.memory_space<hbm>>
        %dma_start3A_66 = tpu.memref_slice %arg3[%mul3A_59] : memref<256000xi32, #tpu.memory_space<hbm>> -> memref<8000xi32, #tpu.memory_space<hbm>>
        tpu.enqueue_dma source(%dma_start3A_66 : memref<8000xi32, #tpu.memory_space<hbm>>) target(%arg6 : memref<8000xi32, #tpu.memory_space<vmem>>) target_semaphore(%run_scoped3A : memref<!tpu.dma_semaphore, #tpu.memory_space<semaphore_mem>>)
        %dma_wait3A = tpu.memref_slice %arg3[%mul3A_59] : memref<256000xi32, #tpu.memory_space<hbm>> -> memref<8000xi32, #tpu.memory_space<hbm>>
        %dma_wait3A_67 = tpu.memref_slice %arg3[%mul3A_59] : memref<256000xi32, #tpu.memory_space<hbm>> -> memref<8000xi32, #tpu.memory_space<hbm>>
        tpu.wait_dma2 semaphore(%run_scoped3A : memref<!tpu.dma_semaphore, #tpu.memory_space<semaphore_mem>>) src(%dma_wait3A_67 : memref<8000xi32, #tpu.memory_space<hbm>>) dst(%arg6 : memref<8000xi32, #tpu.memory_space<vmem>>)
        tpu.yield
      }) : () -> ()
      %scan3A_60 = arith.constant 0 : i32
      %scan3A_61 = arith.constant 0 : i32
      %scan3A_62 = arith.constant 125 : i32
      %scan3A_63 = arith.addi %scan3A_61, %scan3A_62 : i32
      %scan3A_64 = arith.constant 1 : i32
      scf.for %scan3A_66 = %scan3A_61 to %scan3A_63 step %scan3A_64  : i32 {
        %mul3A_67 = arith.constant 16 : i32
        %mul3A_68 = arith.muli %scan3A_66, %mul3A_67 : i32
        %add3A_69 = vector.broadcast %mul3A_68 : i32 to vector<16xi32>
        %add3A_70 = arith.addi %add3A_69, %iota3A : vector<16xi32>
        %mul3A_71 = arith.constant 4 : i32
        %mul3A_72 = vector.broadcast %mul3A_71 : i32 to vector<16xi32>
        %mul3A_73 = arith.muli %add3A_70, %mul3A_72 : vector<16xi32>
        %add3A_74 = arith.constant 2 : i32
        %add3A_75 = vector.broadcast %add3A_74 : i32 to vector<16xi32>
        %add3A_76 = arith.addi %mul3A_73, %add3A_75 : vector<16xi32>
        %gather3A = tpu.vector_load_idx %arg6[%add3A_76] : memref<8000xi32, #tpu.memory_space<vmem>>[vector<16xi32>], vector<16xi32>,
        %mul3A_77 = arith.constant 4 : i32
        %mul3A_78 = vector.broadcast %mul3A_77 : i32 to vector<16xi32>
        %mul3A_79 = arith.muli %add3A_70, %mul3A_78 : vector<16xi32>
        %add3A_80 = arith.constant 3 : i32
        %add3A_81 = vector.broadcast %add3A_80 : i32 to vector<16xi32>
        %add3A_82 = arith.addi %mul3A_79, %add3A_81 : vector<16xi32>
        %gather3A_83 = tpu.vector_load_idx %arg6[%add3A_82] : memref<8000xi32, #tpu.memory_space<vmem>>[vector<16xi32>], vector<16xi32>,
        %mul3A_84 = arith.constant 432 : i32
        %mul3A_85 = vector.broadcast %mul3A_84 : i32 to vector<16xi32>
        %mul3A_86 = arith.muli %gather3A, %mul3A_85 : vector<16xi32>
        %add3A_87 = arith.addi %mul3A_86, %gather3A_83 : vector<16xi32>
        %mul3A_88 = arith.constant 2000 : i32
        %mul3A_89 = arith.muli %scan3A_52, %mul3A_88 : i32
        %add3A_90 = vector.broadcast %mul3A_89 : i32 to vector<16xi32>
        %add3A_91 = arith.addi %add3A_90, %add3A_70 : vector<16xi32>
        %shift_left3A = arith.constant 14 : i32
        %shift_left3A_92 = vector.broadcast %shift_left3A : i32 to vector<16xi32>
        %shift_left3A_93 = arith.shli %add3A_87, %shift_left3A_92 : vector<16xi32>
        %or3A = arith.ori %shift_left3A_93, %add3A_91 : vector<16xi32>
        %bitcast3A = vector.bitcast %or3A : vector<16xi32> to vector<16xi32>
        %masked_sort3A = arith.constant dense<true> : vector<16xi1>
        %masked_sort3A_94, %masked_sort3A_95, %masked_sort3A_96 = tpu.sort %bitcast3A, %add3A_91 masked %masked_sort3A : (vector<16xi32>, vector<16xi32>, vector<16xi1>) -> (vector<16xi1>, vector<16xi32>, vector<16xi32>)
        %shift_right_logical3A = arith.constant 14 : i32
        %shift_right_logical3A_97 = vector.broadcast %shift_right_logical3A : i32 to vector<16xi32>
        %shift_right_logical3A_98 = arith.shrui %masked_sort3A_95, %shift_right_logical3A_97 : vector<16xi32>
        %bitcast3A_99 = vector.bitcast %shift_right_logical3A_98 : vector<16xi32> to vector<16xi32>
        %swap3A_100 = arith.constant 0 : index
        %swap3A_101 = tpu.vector_load %arg9[%swap3A_100] {strides = array<i32>} : memref<16xi32, #tpu.memory_space<vmem>>, vector<16xi32>,
        tpu.vector_store %arg9[%swap3A_100], %bitcast3A_99 {strides = array<i32>} : memref<16xi32, #tpu.memory_space<vmem>>, vector<16xi32>,
        %add3A_102 = arith.constant 1 : i32
        %add3A_103 = vector.broadcast %add3A_102 : i32 to vector<16xi32>
        %add3A_104 = arith.addi %iota3A, %add3A_103 : vector<16xi32>
        %min3A = arith.constant 15 : i32
        %min3A_105 = vector.broadcast %min3A : i32 to vector<16xi32>
        %min3A_106 = arith.minsi %add3A_104, %min3A_105 : vector<16xi32>
        %gather3A_107 = tpu.vector_load_idx %arg9[%min3A_106] : memref<16xi32, #tpu.memory_space<vmem>>[vector<16xi32>], vector<16xi32>,
        %ne3A_108 = arith.cmpi ne, %bitcast3A_99, %gather3A_107 : vector<16xi32>
        %eq3A_109 = arith.constant 15 : i32
        %eq3A_110 = vector.broadcast %eq3A_109 : i32 to vector<16xi32>
        %eq3A_111 = arith.cmpi eq, %iota3A, %eq3A_110 : vector<16xi32>
        %or3A_112 = arith.ori %ne3A_108, %eq3A_111 : vector<16xi1>
        %ge3A = vector.broadcast %mul3A_32 : i32 to vector<16xi32>
        %ge3A_113 = arith.cmpi sge, %bitcast3A_99, %ge3A : vector<16xi32>
        %and3A_114 = arith.andi %or3A_112, %ge3A_113 : vector<16xi1>
        %add3A_115 = arith.constant 26784 : i32
        %add3A_116 = arith.addi %mul3A_32, %add3A_115 : i32
        %lt3A_117 = vector.broadcast %add3A_116 : i32 to vector<16xi32>
        %lt3A_118 = arith.cmpi slt, %bitcast3A_99, %lt3A_117 : vector<16xi32>
        %and3A_119 = arith.andi %and3A_114, %lt3A_118 : vector<16xi1>
        %sub3A_120 = vector.broadcast %mul3A_32 : i32 to vector<16xi32>
        %sub3A_121 = arith.subi %bitcast3A_99, %sub3A_120 : vector<16xi32>
        %jit3A_122 = arith.constant 0 : i32
        %jit3A_123 = arith.constant 26783 : i32
        %max3A = vector.broadcast %jit3A_122 : i32 to vector<16xi32>
        %max3A_124 = arith.maxsi %max3A, %sub3A_121 : vector<16xi32>
        %min3A_125 = vector.broadcast %jit3A_123 : i32 to vector<16xi32>
        %min3A_126 = arith.minsi %min3A_125, %max3A_124 : vector<16xi32>
        tpu.vector_store_idx %arg5[%min3A_126], %masked_sort3A_96 masked %and3A_119 : memref<26784xi32, #tpu.memory_space<vmem>>[vector<16xi32>], vector<16xi32>, vector<16xi1>
      }
      %scan3A_65 = arith.constant 125 : i32
    }
    %scan3A_43 = arith.constant 8 : i32
    %broadcast_in_dim3A = arith.constant 0.000000e+00 : f32
    %broadcast_in_dim3A_44 = vector.broadcast %broadcast_in_dim3A : f32 to vector<16xf32>
    %swap3A = arith.constant 16000 : index
    %swap3A_45 = tpu.vector_load %arg7[%swap3A] {strides = array<i32>} : memref<16016xf32, #tpu.memory_space<vmem>>, vector<16xf32>,
    tpu.vector_store %arg7[%swap3A], %broadcast_in_dim3A_44 {strides = array<i32>} : memref<16016xf32, #tpu.memory_space<vmem>>, vector<16xf32>,
    %scan3A_46 = arith.constant 0 : i32
    %scan3A_47 = arith.constant 0 : i32
    %scan3A_48 = arith.constant 64 : i32
    %scan3A_49 = arith.addi %scan3A_47, %scan3A_48 : i32
    %scan3A_50 = arith.constant 1 : i32
    scf.for %scan3A_52 = %scan3A_47 to %scan3A_49 step %scan3A_50  : i32 {
      %mul3A_53 = arith.constant 64000 : i32
      %mul3A_54 = arith.muli %scan3A_52, %mul3A_53 : i32
      %mul3A_55 = arith.constant 16000 : i32
      %mul3A_56 = arith.muli %select_n3A, %mul3A_55 : i32
      %add3A_57 = arith.addi %mul3A_54, %mul3A_56 : i32
      "tpu.region"() ({
        %run_scoped3A = tpu.sem_alloc : memref<!tpu.dma_semaphore, #tpu.memory_space<semaphore_mem>>
        %dma_start3A = arith.constant 0 : i32
        %dma_start3A_70 = tpu.memref_slice %arg7[%dma_start3A] : memref<16016xf32, #tpu.memory_space<vmem>> -> memref<16000xf32, #tpu.memory_space<vmem>>
        %dma_start3A_71 = tpu.memref_slice %arg2[%add3A_57] : memref<4096000xf32, #tpu.memory_space<hbm>> -> memref<16000xf32, #tpu.memory_space<hbm>>
        %dma_start3A_72 = arith.constant 0 : i32
        %dma_start3A_73 = tpu.memref_slice %arg7[%dma_start3A_72] : memref<16016xf32, #tpu.memory_space<vmem>> -> memref<16000xf32, #tpu.memory_space<vmem>>
        %dma_start3A_74 = tpu.memref_slice %arg2[%add3A_57] : memref<4096000xf32, #tpu.memory_space<hbm>> -> memref<16000xf32, #tpu.memory_space<hbm>>
        tpu.enqueue_dma source(%dma_start3A_74 : memref<16000xf32, #tpu.memory_space<hbm>>) target(%dma_start3A_73 : memref<16000xf32, #tpu.memory_space<vmem>>) target_semaphore(%run_scoped3A : memref<!tpu.dma_semaphore, #tpu.memory_space<semaphore_mem>>)
        %dma_wait3A = arith.constant 0 : i32
        %dma_wait3A_75 = tpu.memref_slice %arg7[%dma_wait3A] : memref<16016xf32, #tpu.memory_space<vmem>> -> memref<16000xf32, #tpu.memory_space<vmem>>
        %dma_wait3A_76 = tpu.memref_slice %arg2[%add3A_57] : memref<4096000xf32, #tpu.memory_space<hbm>> -> memref<16000xf32, #tpu.memory_space<hbm>>
        %dma_wait3A_77 = arith.constant 0 : i32
        %dma_wait3A_78 = tpu.memref_slice %arg7[%dma_wait3A_77] : memref<16016xf32, #tpu.memory_space<vmem>> -> memref<16000xf32, #tpu.memory_space<vmem>>
        %dma_wait3A_79 = tpu.memref_slice %arg2[%add3A_57] : memref<4096000xf32, #tpu.memory_space<hbm>> -> memref<16000xf32, #tpu.memory_space<hbm>>
        tpu.wait_dma2 semaphore(%run_scoped3A : memref<!tpu.dma_semaphore, #tpu.memory_space<semaphore_mem>>) src(%dma_wait3A_79 : memref<16000xf32, #tpu.memory_space<hbm>>) dst(%dma_wait3A_78 : memref<16000xf32, #tpu.memory_space<vmem>>)
        tpu.yield
      }) : () -> ()
      %scan3A_58 = arith.constant 0 : i32
      %scan3A_59 = arith.constant 0 : i32
      %scan3A_60 = arith.constant 1674 : i32
      %scan3A_61 = arith.addi %scan3A_59, %scan3A_60 : i32
      %scan3A_62 = arith.constant 1 : i32
      scf.for %scan3A_70 = %scan3A_59 to %scan3A_61 step %scan3A_62  : i32 {
        %mul3A_71 = arith.constant 16 : i32
        %mul3A_72 = arith.muli %scan3A_70, %mul3A_71 : i32
        %get3A = arith.index_cast %mul3A_72 : i32 to index
        %get3A_73 = tpu.vector_load %arg5[%get3A] {strides = array<i32>} : memref<26784xi32, #tpu.memory_space<vmem>>, vector<16xi32>,
        %gather3A = tpu.vector_load_idx %arg7[%get3A_73] : memref<16016xf32, #tpu.memory_space<vmem>>[vector<16xi32>], vector<16xf32>,
        %mul3A_74 = arith.constant 16 : i32
        %mul3A_75 = arith.muli %scan3A_70, %mul3A_74 : i32
        %swap3A_76 = arith.index_cast %mul3A_75 : i32 to index
        %swap3A_77 = tpu.vector_load %arg8[%swap3A_76] {strides = array<i32>} : memref<26784xf32, #tpu.memory_space<vmem>>, vector<16xf32>,
        tpu.vector_store %arg8[%swap3A_76], %gather3A {strides = array<i32>} : memref<26784xf32, #tpu.memory_space<vmem>>, vector<16xf32>,
      }
      %scan3A_63 = arith.constant 1674 : i32
      %mul3A_64 = arith.constant 64 : i32
      %mul3A_65 = arith.muli %select_n3A, %mul3A_64 : i32
      %add3A_66 = arith.addi %mul3A_65, %scan3A_52 : i32
      %mul3A_67 = arith.constant 214272 : i32
      %mul3A_68 = arith.muli %add3A_66, %mul3A_67 : i32
      %add3A_69 = arith.addi %mul3A_68, %mul3A_32 : i32
      "tpu.region"() ({
        %run_scoped3A = tpu.sem_alloc : memref<!tpu.dma_semaphore, #tpu.memory_space<semaphore_mem>>
        %dma_start3A = tpu.memref_slice %arg4[%add3A_69] : memref<54853632xf32, #tpu.memory_space<hbm>> -> memref<26784xf32, #tpu.memory_space<hbm>>
        %dma_start3A_70 = tpu.memref_slice %arg4[%add3A_69] : memref<54853632xf32, #tpu.memory_space<hbm>> -> memref<26784xf32, #tpu.memory_space<hbm>>
        tpu.enqueue_dma source(%arg8 : memref<26784xf32, #tpu.memory_space<vmem>>) target(%dma_start3A_70 : memref<26784xf32, #tpu.memory_space<hbm>>) target_semaphore(%run_scoped3A : memref<!tpu.dma_semaphore, #tpu.memory_space<semaphore_mem>>)
        %dma_wait3A = tpu.memref_slice %arg4[%add3A_69] : memref<54853632xf32, #tpu.memory_space<hbm>> -> memref<26784xf32, #tpu.memory_space<hbm>>
        %dma_wait3A_71 = tpu.memref_slice %arg4[%add3A_69] : memref<54853632xf32, #tpu.memory_space<hbm>> -> memref<26784xf32, #tpu.memory_space<hbm>>
        tpu.wait_dma2 semaphore(%run_scoped3A : memref<!tpu.dma_semaphore, #tpu.memory_space<semaphore_mem>>) src(%arg8 : memref<26784xf32, #tpu.memory_space<vmem>>) dst(%dma_wait3A_71 : memref<26784xf32, #tpu.memory_space<hbm>>)
        tpu.yield
      }) : () -> ()
    }
    %scan3A_51 = arith.constant 64 : i32
    return
  }
}

</mosaic_0001>

<sc_bundles>
// kernel: kernel.3.cloned.1.call-start
scs
__scs_entry_jumppad:
0x0: {  	(pc) =	sbr.rel $0x88, $3  }
0x1: {  	(tag) =	ssettag $0x0;
	lr =	simm.s32 $0x1  }
0x2: {  	[smem:$0x3F9F] =	sst lr;
	_ =	strace $0xD0000000  }
0x3: {  	_ = 	snop  }
0x4: {  	_ = 	snop  }
0x5: {  	_ = 	snop  }
0x6: {  	_ = 	snop  }
0x7: {  	_ = 	snop  }
__scs_overlays_trampoline_lowered:
0x8: {  	[smem:$0x3FAE] =	sst s0  }
0x9: {  	[smem:$0x3FAF] =	sst s1  }
0xa: {  	[smem:$0x3FB0] =	sst s2  }
0xb: {  	[smem:$0x3FB1] =	sst s3  }
0xc: {  	[smem:$0x3FB2] =	sst s4  }
0xd: {  	[smem:$0x3FB3] =	sst s5  }
0xe: {  	[smem:$0x3FB4] =	sst s6  }
0xf: {  	[smem:$0x3FB5] =	sst s7  }
0x10: {  	[smem:$0x3FB6] =	sst s8  }
0x11: {  	[smem:$0x3FB7] =	sst s9;
	s0 =	simm.s32 @!p0 $0x0  }
0x12: {  	s1 =	sld [smem:$0x3F9D];
	s0 =	simm.s32 @p0 $0x1  }
0x13: {  	[smem:$0x3FB8] =	sst s0;
	s0 =	simm.s32 @!p1 $0x0  }
0x14: {  	s2 =	sld [smem:$0x3F9C];
	s0 =	simm.s32 @p1 $0x1  }
0x15: {  	[smem:$0x3FB9] =	sst s0;
	s0 =	simm.s32 @!p2 $0x0  }
0x16: {  	s3 =	sld [smem:$0x3FDB];
	s0 =	simm.s32 @p2 $0x1  }
0x17: {  	s4 =	simm.s32 $0x1BF5;
	[smem:$0x3FBB] =	sst s0  }
0x18: {  	s0 =	sld [smem:$0x3F9E];
	_ =	swait.ge [sflag:s4], $0x0  }
0x19: {  	s7 =	sld [smem:$0x3F9F]  }
0x1a: {  	s8 =	sadd.s32 $0xFFFFE003, lr  }
0x1b: {  	s9 =	sadd.s32 $0xFFFFFEF7, lr;
	s5 =	simm.s32 $0xFFFFFFFF;
	p2 =	slt.u32 s8, $0xFFFFF086  }
0x1c: {  	p1 =	slt.u32 s9, $0xF7A;
	s5 =	simm.s32 @!p2 $0x0  }
0x1d: {  	s5 =	simm.s32 @p1 $0x1;
	p0 =	seq.s32 s7, s2  }
0x1e: {  	s7 =	smul.u32 @!p0 $0xF7A, s2;
	p2 =	seq.s32 @!p0 s5, $0x0  }
0x1f: {  	s9 =	smul.u32 $0xF7A, s1;
	s8 =	simm.s32 @!p0 $0x1BF5;
	p2 =	por !p2, p0  }
0x20: {  	[sflag:s8] =	ssyncset.s32 @!p0 $0xFFFFF086;
	s6 =	sadd.s32 @!p0 s3, s7;
	s7 =	simm.s32 @!p0 $0x108  }
0x21: {  	s3 =	sadd.s32 s3, s9;
	s6 =	sadd.s32 @!p0 $0x88, s6;
	s7 =	simm.s32 @p2 $0x1082  }
0x22: {  	[simem:s7], [sflag:s8] =	dma.local @!p0 [hbm:s6], $0xF7A  }
0x23: {  	s9 =	sor.u32 $0xD0000000, s2;
	s6 =	simm.s32 $0x108;
	_ =	swait.ge @!p0 [sflag:s8], $0x0  }
0x24: {  	s3 =	sadd.s32 $0x88, s3;
	s6 =	simm.s32 @!p1 $0x1082;
	[sflag:s4] =	ssyncset.s32 $0xFFFFF086  }
0x25: {  	[simem:s6], [sflag:s4] =	dma.local [hbm:s3], $0xF7A  }
0x26: {  	[smem:$0x3F9F] =	sst s1;
	(tag) =	ssettag s2;
	_ =	strace s9  }
0x27: {  	s1 =	sld [smem:$0x3FAF]  }
0x28: {  	s2 =	sld [smem:$0x3FB0]  }
0x29: {  	s4 =	sld [smem:$0x3FB2]  }
0x2a: {  	p0 =	seq.s32 s5, $0x0;
	s5 =	sld [smem:$0x3FB3]  }
0x2b: {  	s6 =	sld [smem:$0x3FB4]  }
0x2c: {  	s7 =	sld [smem:$0x3FB5]  }
0x2d: {  	s3 =	simm.s32 $0x108;
	s8 =	sld [smem:$0x3FB6]  }
0x2e: {  	s3 =	simm.s32 @!p0 $0x1082;
	s9 =	sld [smem:$0x3FB7]  }
0x2f: {  	lr =	sadd.s32 s0, s3;
	s0 =	sld [smem:$0x3FAE]  }
0x30: {  	s3 =	sld [smem:$0x3FB1]  }
0x31: {  	[smem:$0x3FBA] =	sst s10  }
0x32: {  	s10 =	sld [smem:$0x3FB8];
	_ =	sdelay $0x3  }
0x33: {  	p0 =	seq.s32 s10, $0x1;
	s10 =	sld [smem:$0x3FBA];
	_ =	sdelay $0x3  }
0x34: {  	[smem:$0x3FBA] =	sst s10  }
0x35: {  	s10 =	sld [smem:$0x3FB9];
	_ =	sdelay $0x3  }
0x36: {  	p1 =	seq.s32 s10, $0x1;
	s10 =	sld [smem:$0x3FBA];
	_ =	sdelay $0x3  }
0x37: {  	[smem:$0x3FBA] =	sst s10  }
0x38: {  	s10 =	sld [smem:$0x3FBB]  }
0x39: {  	_ = 	snop;
	(pc) =	sbr.ind lr, $3  }
0x3a: {  	_ = 	snop  }
0x3b: {  	_ = 	snop  }
0x3c: {  	p2 =	seq.s32 s10, $0x1;
	s10 =	sld [smem:$0x3FBA]  }
0x3d: {  	_ =	shalt  }
0x3e: {  	_ =	shalt  }
0x3f: {  	_ =	shalt  }
0x40: {  	_ =	shalt  }
0x41: {  	_ =	shalt  }
0x42: {  	_ =	shalt  }
0x43: {  	_ =	shalt  }
0x44: {  	_ =	shalt  }
0x45: {  	_ =	shalt  }
0x46: {  	_ =	shalt  }
0x47: {  	_ =	shalt  }
0x48: {  	_ =	shalt  }
0x49: {  	_ =	shalt  }
0x4a: {  	_ =	shalt  }
0x4b: {  	_ =	shalt  }
0x4c: {  	_ =	shalt  }
0x4d: {  	_ =	shalt  }
0x4e: {  	_ =	shalt  }
0x4f: {  	_ =	shalt  }
0x50: {  	_ =	shalt  }
0x51: {  	_ =	shalt  }
0x52: {  	_ =	shalt  }
0x53: {  	_ =	shalt  }
0x54: {  	_ =	shalt  }
0x55: {  	_ =	shalt  }
0x56: {  	_ =	shalt  }
0x57: {  	_ =	shalt  }
0x58: {  	_ =	shalt  }
0x59: {  	_ =	shalt  }
0x5a: {  	_ =	shalt  }
0x5b: {  	_ =	shalt  }
0x5c: {  	_ =	shalt  }
0x5d: {  	_ =	shalt  }
0x5e: {  	_ =	shalt  }
0x5f: {  	_ =	shalt  }
0x60: {  	_ =	shalt  }
0x61: {  	_ =	shalt  }
0x62: {  	_ =	shalt  }
0x63: {  	_ =	shalt  }
0x64: {  	_ =	shalt  }
0x65: {  	_ =	shalt  }
0x66: {  	_ =	shalt  }
0x67: {  	_ =	shalt  }
0x68: {  	_ =	shalt  }
0x69: {  	_ =	shalt  }
0x6a: {  	_ =	shalt  }
0x6b: {  	_ =	shalt  }
0x6c: {  	_ =	shalt  }
0x6d: {  	_ =	shalt  }
0x6e: {  	_ =	shalt  }
0x6f: {  	_ =	shalt  }
0x70: {  	_ =	shalt  }
0x71: {  	_ =	shalt  }
0x72: {  	_ =	shalt  }
0x73: {  	_ =	shalt  }
0x74: {  	_ =	shalt  }
0x75: {  	_ =	shalt  }
0x76: {  	_ =	shalt  }
0x77: {  	_ =	shalt  }
0x78: {  	_ =	shalt  }
0x79: {  	_ =	shalt  }
0x7a: {  	_ =	shalt  }
0x7b: {  	_ =	shalt  }
0x7c: {  	_ =	shalt  }
0x7d: {  	_ =	shalt  }
0x7e: {  	_ =	shalt  }
0x7f: {  	_ =	shalt  }
0x80: {  	_ =	shalt  }
0x81: {  	_ =	shalt  }
0x82: {  	_ =	shalt  }
0x83: {  	_ =	shalt  }
0x84: {  	_ =	shalt  }
0x85: {  	_ =	shalt  }
0x86: {  	_ =	shalt  }
0x87: {  	_ =	shalt  }
.Lfunc_end0:
.L_simem_size_0:
called_computation.1_lowered:
.L_overlay_start_0:
0x88: {  	s2 =	sld [smem:$0x3FD9]  }
0x89: {  	s3 =	sld [smem:$0x3FFE];
	_ =	sdelay $0x1  }
0x8a: {  	s1 =	srdreg.scid  }
0x8b: {  	s0 =	sand.u32 $0x1, s1  }
0x8c: {  	s17 =	sshll.u32 s0, $0xA;
	s2 =	sadd.s32 s3, s2  }
0x8d: {  	s2 =	sadd.s32 s2, s17  }
0x8e: {  	[smem:$0x3FC6] =	sst s2  }
0x8f: {  	_ = 	snop  }
0x90: {  	s2 =	sld [smem:$0x3FD0];
	(tm) =	ssettm $0x1  }
0x91: {  	s18 =	sld [smem:$0x3FFB];
	_ =	sdelay $0x3  }
0x92: {  	_ =	strace s18  }
0x93: {  	s3 =	sld [smem:$0x3FFC];
	_ =	sdelay $0x3  }
0x94: {  	_ =	strace s3  }
0x95: {  	s3 =	sld [smem:$0x3FFD];
	_ =	sdelay $0x3  }
0x96: {  	_ =	strace s3  }
0x97: {  	_ =	strace $0x8FFFFFFF  }
0x98: {  	s19 =	sld [smem:$0x3FDB];
	_ =	sdelay $0x1  }
0x99: {  	s4 =	simm.s32 $_scs_section_size  }
0x9a: {  	s5 =	simm.s32 $_size__tile_overlayer_lowered;
	s6 =	simm.s32 $_tile_overlayer_lowered  }
0x9b: {  	s22 =	simm.s32 $0x1BFF;
	s21 =	sshll.u32 s6, $0x1;
	s3 =	sadd.s32 s4, s19  }
0x9c: {  	s7 =	simm.s32 $0x0;
	s20 =	sshll.u32 s5, $0x1;
	s5 =	sadd.s32 s21, s3  }
0x9d: {  	[timem:s7], [sflag:s22] =	dma.local [hbm:s5], s20  }
0x9e: {  	_ =	swait.ge [sflag:s22], s20  }
0x9f: {  	s4 =	ssub.s32 $0x0, s20;
	[sflag:s22] =	ssyncset.done $0x0  }
0xa0: {  	[sflag:s22] =	ssyncadd.s32 s4;
	_ =	sdelay $0x1  }
0xa1: {  	s23 =	simm.s32 $0x1B8B  }
0xa2: {  	_ =	swait.ge [sflag:s23], $0x1  }
0xa3: {  	[sflag:s23] =	ssyncset.done $0x0  }
0xa4: {  	s25 =	simm.s32 $0x1B8E;
	s24 =	sld [smem:$0x3FFE];
	[sflag:s23] =	ssyncadd.s32 $0xFFFFFFFF  }
0xa5: {  	s26 =	simm.s32 $execute0_lowered;
	[smem:$0x3FD2] =	sst s25  }
0xa6: {  	s5 =	sshll.u32 s26, $0x1;
	_ =	strace $0x80000046;
	[dreg:$0x1] =	wrdreg $0xFFFFFFFF  }
0xa7: {  	s28 =	simm.s32 $_size_execute0_lowered;
	s3 =	sadd.s32 s3, s5;
	[dreg:$0x0] =	wrdreg $0x0  }
0xa8: {  	s5 =	sshll.u32 s28, $0x1;
	[dreg:$0x2] =	wrdreg s3  }
0xa9: {  	[dreg:$0x3] =	wrdreg s5  }
0xaa: {  	[dreg:$0x4] =	wrdreg $0xC0  }
0xab: {  	_ =	task [dreg:s7], $0x5FFFF  }
0xac: {  	[dreg:$0x1] =	wrdreg $0xFFFFFFFF  }
0xad: {  	[dreg:$0x0] =	wrdreg $0x60  }
0xae: {  	[dreg:$0x2] =	wrdreg s24  }
0xaf: {  	[dreg:$0x3] =	wrdreg s2  }
0xb0: {  	[dreg:$0x4] =	wrdreg $0x9  }
0xb1: {  	_ =	task.clear_ibuf [dreg:s7], $0x5FFFF;
	_ =	strace $0x90000046  }
0xb2: {  	s29 =	simm.s32 $0x9;
	_ =	strace $0x80000048  }
0xb3: {  	_ =	swait.ge [sflag:s29], $0x1  }
0xb4: {  	[sflag:s29] =	ssyncadd.s32 $0xFFFFFFFF  }
0xb5: {  	_ =	strace $0x90000048  }
0xb6: {  	_ =	sfence  }
0xb7: {  	s30 =	sld [smem:$0x0];
	_ =	sdelay $0x2  }
0xb8: {  	s31 =	sshll.u32 s1, $0xD;
	s1 =	sshrl.u32 s1, $0x2  }
0xb9: {  	s3 =	sand.u32 $0x4000, s31;
	s1 =	sadd.s32 s1, s30  }
0xba: {  	s0 =	sor.u32 s3, s0;
	s1 =	sshll.u32 s1, $0x11  }
0xbb: {  	s0 =	sor.u32 s1, s0  }
0xbc: {  	s0 =	sadd.s32 $0x8F2B, s0  }
0xbd: {  	[sflag:s0] =	ssyncadd.remote.s32 $0x1  }
0xbe: {  	_ =	sfence.sel $0xFFFF  }
0xbf: {  	[dreg:$0x0] =	wrdreg $0xFFFFFFFF;
	(pc) =	sbr.abs _section_cstart, $3  }
0xc0: {  	[dreg:$0x1] =	wrdreg $0xFFFFFFFF  }
0xc1: {  	_ =	task.clear_ibuf [dreg:s7], $0x2FFFF;
	_ =	strace $0x9FFFFFFF  }
0xc2: {  	(tm) =	ssettm $0x7FFFFFFF  }
0xc3: {  	_ =	shalt  }
tec
execute0_lowered:
.L_overlay_start_1:
0x0: {  	(tag) =	ssettag $0x1  }
0x1: {  	s6 =	rddreg [dreg:$0x0]  }
0x2: {  	s2 =	rddreg [dreg:$0x1]  }
0x3: {  	s0 =	rddreg [dreg:$0x2];
	s3 =	simm.s32 $0x0;
	s1 =	stileid.u32  }
0x4: {  	s4 =	srdreg.scid;
	v0 =	vimm.s32 $0xFFEDCBA9;
	v1 =	vimm.s32 $0x87654321;
	s12 =	simm.s32 $0x13080;
	s13 =	simm.s32 $0x8880  }
0x5: {  	s14 =	simm.s32 $0xC780;
	s15 =	simm.s32 $0x0;
	s5 =	sshll.u32 s1, $0x1;
	v0 =	vunpack.c.l.s4.s8 v0;
	v1 =	vunpack.c.l.s4.s8 v1  }
0x6: {  	[smem:$0x7FF] =	sst s3;
	s7 =	sand.u32 $0x1, s4;
	s5 =	sand.u32 $0x6, s5  }
0x7: {  	s4 =	sadd.s32 $0x800, s6;
	s9 =	sshrl.u32 s1, $0x2;
	s5 =	sor.u32 s7, s5;
	v2 =	vunpack.c.0.s8.s32 v0;
	v1 =	vunpack.c.0.s8.s32 v1  }
0x8: {  	s6 =	sadd.s32 $0x7D800, s6;
	s8 =	ssub.s32 $0x2, s7;
	s5 =	smul.u32 $0x68A0, s5  }
0x9: {  	v3 =	vlaneseq.u32;
	_ =	strace $0x80000047;
	s31 =	sshrl.u32 s8, $0x1;
	s7 =	smul.u32 $0x3E80, s9;
	v4 =	vcombine.low v1, v2  }
0xa: {  	vm0 =	vcmask $0x3F3C;
	v5 =	vimm.f32 $0.0e+00;
	s10 =	ssub.s32 s8, s31;
	s8 =	sshll.u32 s9, $0x6;
	v2 =	vimm.s32 $0x3E80;
	s11 =	sadd.s32 $0x68A0, s5  }
0xb: {  	s9 =	smax.u32 s10, $0x1;
	s10 =	simm.s32 $0x6900;
	v0 =	vmov s5;
	v1 =	vmov s11;
	s11 =	simm.s32 $0x1;
	v4 =	vand.u32 $0xF, v4  }
.LBB2_1:
0xc: {  	s16 =	simm.s32 $0x40;
	s17 =	simm.s32 $0x0  }
.LBB2_2:
0xd: {  	p0 =	sne.s32 s16, $0x1A240;
	[tilespmem:s17+$0x0] =	vst v2;
	s17 =	smov.u32 s16;
	s16 =	sadd.s32 $0x40, s16  }
.Ltmp0:
0xe: {  	(pc) =	sbr.rel @p0 .LBB2_2-.Ltmp0, $2  }
0xf: {  	_ =	sdelay $0x2  }
0x10: {  	s17 =	sshra.s32 s17, $0x2  }
0x11: {  	[tilespmem:s17+$0x0] =	vst v2;
	s16 =	simm.s32 $0x0;
	s17 =	simm.s32 $0x0  }
.LBB2_4:
0x12: {  	s18 =	smul.u32 $0x7D0, s17;
	_ =	sdelay $0x1  }
0x13: {  	v7 =	vor.u32 s16, v3;
	s19 =	sadd.s32 s7, s18  }
0x14: {  	v6 =	vshll.u32 v7, $0x2;
	s19 =	sshrl.u32 s19, $0x1  }
0x15: {  	v8 =	vor.u32 $0x2, v6;
	s19 =	sadd.s32 s6, s19  }
0x16: {  	[tilespmem:s10], [sflag:$0x1] =	stream.linear.gather [hbm4b:s19+s16], $0x1F40, $0x38;
	[tilespmem:$0x13100] =	vst v63  }
0x17: {  	v6 =	vor.u32 $0x3, v6;
	_ =	swait.ge [sflag:s11], $0x1F40  }
0x18: {  	[sflag:s11] =	ssyncset.done $0x0  }
0x19: {  	[sflag:s11] =	ssyncadd.s32 $0xFFFFE0C0  }
0x1a: {  	v8 =	vld.idx.msk [tilespmem:v8+s10+$0x0], $0xffff;
	_ =	sdelay $0x1  }
0x1b: {  	v9 =	vld.idx.msk [tilespmem:v6+s10+$0x0], $0xffff;
	_ =	sdelay $0x2  }
0x1c: {  	v8 =	vmul.u32 $0x1B0, v8;
	_ =	sdelay $0x1  }
0x1d: {  	v6 =	vmov s18;
	v8 =	vadd.s32 v9, v8  }
0x1e: {  	v7 =	vadd.s32 v6, v7;
	v8 =	vshll.u32 v8, $0xE  }
0x1f: {  	v8 =	vor.u32 v7, v8  }
0x20: {  	(xrf1) =	vsort.ascd.msk.u32 $0xffff, v8, v7;
	_ =	sdelay $0xd  }
0x21: {  	v8, v7, _ =	vpop (xrf1)  }
0x22: {  	v8 =	vshrl.u32 v8, $0xE  }
0x23: {  	[tilespmem:$0x13080] =	vst v8  }
0x24: {  	v9 =	vld.idx.msk [tilespmem:v4+s12+$0x0], $0xffff;
	_ =	sdelay $0x4  }
0x25: {  	vm1 =	vne.s32 v8, v9  }
0x26: {  	v10 =	vsub.s32 v8, v0;
	vm3 =	vge.u32 v8, v0;
	vm1 =	vmor vm1, vm0  }
0x27: {  	s31 =	simm.s32 $0x10;
	vm2 =	vgt.s32 v10, $0x0;
	vm1 =	vmand vm3, vm1;
	vm3 =	vlt.u32 v8, v1  }
0x28: {  	v9 =	vnsel vm2, $0x0, v10;
	v8 =	vor.u32 s31, v3;
	vm1 =	vmand vm3, vm1  }
0x29: {  	v11 =	vmin.u32 v9, $0x689F;
	v12 =	vshll.u32 v8, $0x2  }
0x2a: {  	s18 =	simm.s32 $0x20;
	v10 =	vor.u32 $0x2, v12;
	v9 =	vor.u32 $0x3, v12  }
.LBB2_5:
0x2b: {  	_ =	sdelay $0x2  }
0x2c: {  	p0 =	sne.s32 s18, $0x7C0;
	[tilespmem:v11+s3+$0x0] =	vst.idx.msk vm1, v7;
	s19 =	smov.u32 s18;
	s18 =	sadd.s32 $0x10, s18  }
0x2d: {  	v7 =	vld.idx.msk [tilespmem:v10+s10+$0x0], $0xffff;
	_ =	sdelay $0x1  }
0x2e: {  	v9 =	vld.idx.msk [tilespmem:v9+s10+$0x0], $0xffff;
	_ =	sdelay $0x3  }
0x2f: {  	v7 =	vmul.u32 $0x1B0, v7;
	_ =	sdelay $0x1  }
0x30: {  	v7 =	vadd.s32 v9, v7  }
0x31: {  	v8 =	vadd.s32 v6, v8;
	v7 =	vshll.u32 v7, $0xE  }
0x32: {  	v7 =	vor.u32 v8, v7  }
0x33: {  	(xrf1) =	vsort.ascd.msk.u32 $0xffff, v7, v8;
	_ =	sdelay $0xd  }
0x34: {  	v8, v7, _ =	vpop (xrf1)  }
0x35: {  	v8 =	vshrl.u32 v8, $0xE  }
0x36: {  	[tilespmem:$0x13080] =	vst v8;
	v9 =	vsub.s32 v8, v0  }
0x37: {  	v10 =	vld.idx.msk [tilespmem:v4+s12+$0x0], $0xffff;
	vm1 =	vgt.s32 v9, $0x0  }
0x38: {  	v9 =	vnsel vm1, $0x0, v9;
	_ =	sdelay $0x4  }
0x39: {  	vm1 =	vne.s32 v8, v10  }
.Ltmp1:
0x3a: {  	vm2 =	vge.u32 v8, v0;
	vm1 =	vmor vm1, vm0;
	(pc) =	sbr.rel @p0 .LBB2_5-.Ltmp1, $4  }
0x3b: {  	vm1 =	vmand vm2, vm1;
	vm2 =	vlt.u32 v8, v1  }
0x3c: {  	v8 =	vor.u32 s19, v3;
	vm1 =	vmand vm2, vm1  }
0x3d: {  	v11 =	vmin.u32 v9, $0x689F;
	v12 =	vshll.u32 v8, $0x2  }
0x3e: {  	v10 =	vor.u32 $0x2, v12;
	v9 =	vor.u32 $0x3, v12  }
0x3f: {  	_ =	sdelay $0x4  }
0x40: {  	[tilespmem:v11+s3+$0x0] =	vst.idx.msk vm1, v7  }
0x41: {  	v7 =	vld.idx.msk [tilespmem:v10+s10+$0x0], $0xffff;
	_ =	sdelay $0x1  }
0x42: {  	v9 =	vld.idx.msk [tilespmem:v9+s10+$0x0], $0xffff;
	_ =	sdelay $0x2  }
0x43: {  	v7 =	vmul.u32 $0x1B0, v7;
	_ =	sdelay $0x1  }
0x44: {  	v7 =	vadd.s32 v9, v7  }
0x45: {  	v6 =	vadd.s32 v6, v8;
	v7 =	vshll.u32 v7, $0xE  }
0x46: {  	v7 =	vor.u32 v6, v7  }
0x47: {  	(xrf1) =	vsort.ascd.msk.u32 $0xffff, v7, v6;
	_ =	sdelay $0xd  }
0x48: {  	v6, v7, _ =	vpop (xrf1)  }
0x49: {  	v6 =	vshrl.u32 v6, $0xE  }
0x4a: {  	[tilespmem:$0x13080] =	vst v6  }
0x4b: {  	v62 =	vld.idx.msk [tilespmem:v4+s12+$0x0], $0xffff;
	_ =	sdelay $0x4  }
0x4c: {  	vm1 =	vne.s32 v6, v62  }
0x4d: {  	v63 =	vsub.s32 v6, v0;
	vm2 =	vge.u32 v6, v0;
	vm1 =	vmor vm1, vm0  }
0x4e: {  	vm3 =	vgt.s32 v63, $0x0;
	vm1 =	vmand vm2, vm1;
	vm2 =	vlt.u32 v6, v1  }
0x4f: {  	s17 =	sadd.s32 $0x1, s17;
	v6 =	vnsel vm3, $0x0, v63;
	vm1 =	vmand vm2, vm1  }
0x50: {  	p0 =	sne.s32 s17, $0x8;
	v6 =	vmin.u32 v6, $0x689F  }
.Ltmp2:
0x51: {  	_ = 	snop;
	(pc) =	sbr.rel @p0 .LBB2_4-.Ltmp2, $2  }
0x52: {  	_ =	sdelay $0x2  }
0x53: {  	[tilespmem:v6+s3+$0x0] =	vst.idx.msk vm1, v7  }
0x54: {  	[tilespmem:$0xC700] =	vst v5;
	s16 =	simm.s32 $0x0;
	s17 =	simm.s32 $0x0  }
.LBB2_8:
0x55: {  	s18 =	smul.u32 $0xFA00, s17;
	_ =	sdelay $0x1  }
0x56: {  	s18 =	sadd.s32 s7, s18  }
0x57: {  	s18 =	sshrl.u32 s18, $0x3  }
0x58: {  	s18 =	sadd.s32 s4, s18  }
0x59: {  	[tilespmem:s13], [sflag:$0x1] =	stream.linear.gather [hbm4b:s18+s16], $0x3E80, $0x38;
	[tilespmem:$0x13100] =	vst v63  }
0x5a: {  	_ =	swait.ge [sflag:s11], $0x3E80  }
0x5b: {  	[sflag:s11] =	ssyncset.done $0x0  }
0x5c: {  	s19 =	simm.s32 $0x0;
	[sflag:s11] =	ssyncadd.s32 $0xFFFFC180  }
0x5d: {  	v6 =	vld [tilespmem:s19+$0x0];
	_ =	sdelay $0x7  }
0x5e: {  	s20 =	simm.s32 $0x80;
	s18 =	simm.s32 $0x10;
	v6 =	vld.idx.msk [tilespmem:v6+s13+$0x0], $0xffff  }
.LBB2_9:
0x5f: {  	p0 =	sne.s32 s20, $0x1A240;
	v7 =	vld [tilespmem:s18+$0x0];
	_ =	sdelay $0x3  }
.Ltmp3:
0x60: {  	(pc) =	sbr.rel @p0 .LBB2_9-.Ltmp3, $2  }
0x61: {  	[tilespmem:s19+$0xC780] =	vst v6;
	s19 =	smov.u32 s18;
	_ =	sdelay $0x2  }
0x62: {  	s18 =	sshra.s32 s20, $0x2;
	s20 =	sadd.s32 $0x40, s20;
	v6 =	vld.idx.msk [tilespmem:v7+s13+$0x0], $0xffff  }
0x63: {  	v7 =	vld [tilespmem:s18+$0x0];
	_ =	sdelay $0x6  }
0x64: {  	[tilespmem:s19+$0xC780] =	vst v6  }
0x65: {  	s30 =	sadd.s32 s8, s17;
	v6 =	vld.idx.msk [tilespmem:v7+s13+$0x0], $0xffff  }
0x66: {  	s19 =	smul.u32 $0x34500, s30;
	_ =	sdelay $0x1  }
0x67: {  	s17 =	sadd.s32 $0x1, s17;
	s19 =	sadd.s32 s5, s19  }
0x68: {  	p0 =	sne.s32 s17, $0x40;
	s19 =	sshrl.u32 s19, $0x3  }
.Ltmp4:
0x69: {  	s31 =	sadd.s32 s2, s19;
	[tilespmem:s18+$0xC780] =	vst v6;
	(pc) =	sbr.rel @p0 .LBB2_8-.Ltmp4, $4  }
0x6a: {  	[hbm4b:s31+s3] =	stream.linear.scatter [tilespmem:s14], [sflag:$0x1], $0x68A0, $0x38;
	[tilespmem:$0x13100] =	vst v63  }
0x6b: {  	_ =	swait.ge [sflag:s11], $0x68A0  }
0x6c: {  	[sflag:s11] =	ssyncset.done $0x0  }
0x6d: {  	[sflag:s11] =	ssyncadd.s32 $0xFFFF9760  }
0x6e: {  	s15 =	sadd.s32 $0x1, s15  }
0x6f: {  	p0 =	sne.s32 s15, s9  }
.Ltmp5:
0x70: {  	_ = 	snop;
	(pc) =	sbr.rel @p0 .LBB2_1-.Ltmp5, $1  }
0x71: {  	_ =	sdelay $0x3  }
0x72: {  	_ =	sfence.sel $0x180000  }
0x73: {  	[bflag:$0x0] =	sbarrier.arrive $0xFFFF  }
0x74: {  	p0 =	sne.s32 s1, $0x0;
	_ =	strace $0x90000047  }
0x75: {  	s0 =	sadd.s32 @!p0 $0x100000, s0;
	[bflag:$0x2] =	sbarrier.arrive $0xFFFF  }
0x76: {  	[sflag:s0] =	ssyncadd.tile.s32 @!p0 $0x1;
	_ =	shalt  }
.Lfunc_end2:
_tile_overlayer_lowered:
.L_overlay_start_2:
0x77: {  	(tag) =	ssettag $0x2  }
0x78: {  	s0 =	rddreg [dreg:$0x0];
	s2 =	stileid.u32  }
0x79: {  	s1 =	rddreg [dreg:$0x1];
	p0 =	sne.s32 s2, $0x0  }
0x7a: {  	s3 =	rddreg [dreg:$0x2];
	[bflag:$0x3] =	sbarrier.arrive $0xFFFF;
	s2 =	simm.s32 @!p0 $0x1C01  }
0x7b: {  	[timem:s3], [sflag:s2] =	dma.local @!p0 [hbm:s0], s1  }
0x7c: {  	s0 =	simm.s32 @!p0 $0x1  }
0x7d: {  	_ =	swait.ge @!p0 [sflag:s0], s1  }
0x7e: {  	s1 =	ssub.s32 @!p0 $0x0, s1;
	[sflag:s0] =	ssyncset.done @!p0 $0x0  }
0x7f: {  	[sflag:s0] =	ssyncadd.s32 @!p0 s1  }
0x80: {  	[bflag:$0x3] =	sbarrier.arrive $0xFFFF  }
0x81: {  	_ =	shalt  }

// kernel: sparse-core-data-format-call.cloned.1.call-start
scs
called_computation_lowered:
.L_overlay_start_0:
0x0: {  	s2 =	sld [smem:$0x3FD9]  }
0x1: {  	s3 =	sld [smem:$0x3FFE];
	_ =	sdelay $0x1  }
0x2: {  	s1 =	srdreg.scid  }
0x3: {  	s0 =	sand.u32 $0x1, s1  }
0x4: {  	s18 =	sshll.u32 s0, $0xA;
	s2 =	sadd.s32 s3, s2  }
0x5: {  	s2 =	sadd.s32 s2, s18  }
0x6: {  	[smem:$0x3FC6] =	sst s2  }
0x7: {  	_ = 	snop  }
0x8: {  	s2 =	sld [smem:$0x3FD0];
	(tm) =	ssettm $0x1  }
0x9: {  	s19 =	sld [smem:$0x3FFB];
	_ =	sdelay $0x3  }
0xa: {  	_ =	strace s19  }
0xb: {  	s3 =	sld [smem:$0x3FFC];
	_ =	sdelay $0x3  }
0xc: {  	_ =	strace s3  }
0xd: {  	s3 =	sld [smem:$0x3FFD];
	_ =	sdelay $0x3  }
0xe: {  	_ =	strace s3  }
0xf: {  	_ =	strace $0x8FFFFFFF  }
0x10: {  	s20 =	sld [smem:$0x3FDB];
	_ =	sdelay $0x1  }
0x11: {  	s4 =	simm.s32 $_scs_section_size  }
0x12: {  	s5 =	simm.s32 $_size__tile_overlayer_lowered;
	s6 =	simm.s32 $_tile_overlayer_lowered  }
0x13: {  	s23 =	simm.s32 $0x1BFF;
	s22 =	sshll.u32 s6, $0x1;
	s3 =	sadd.s32 s4, s20  }
0x14: {  	s7 =	simm.s32 $0x0;
	s21 =	sshll.u32 s5, $0x1;
	s5 =	sadd.s32 s22, s3  }
0x15: {  	[timem:s7], [sflag:s23] =	dma.local [hbm:s5], s21  }
0x16: {  	_ =	swait.ge [sflag:s23], s21  }
0x17: {  	s4 =	ssub.s32 $0x0, s21;
	[sflag:s23] =	ssyncset.done $0x0  }
0x18: {  	[sflag:s23] =	ssyncadd.s32 s4;
	_ =	sdelay $0x1  }
0x19: {  	s24 =	simm.s32 $0x1B8B  }
0x1a: {  	_ =	swait.ge [sflag:s24], $0x1  }
0x1b: {  	[sflag:s24] =	ssyncset.done $0x0  }
0x1c: {  	s26 =	simm.s32 $0x1B8E;
	s25 =	sld [smem:$0x3FFE];
	[sflag:s24] =	ssyncadd.s32 $0xFFFFFFFF  }
0x1d: {  	s27 =	simm.s32 $execute0_lowered;
	[smem:$0x3FD2] =	sst s26  }
0x1e: {  	s5 =	sshll.u32 s27, $0x1;
	_ =	strace $0x80000049;
	[dreg:$0x1] =	wrdreg $0xFFFFFFFF  }
0x1f: {  	s28 =	simm.s32 $_size_execute0_lowered;
	s3 =	sadd.s32 s3, s5;
	[dreg:$0x0] =	wrdreg $0x0  }
0x20: {  	s5 =	sshll.u32 s28, $0x1;
	[dreg:$0x2] =	wrdreg s3  }
0x21: {  	[dreg:$0x3] =	wrdreg s5  }
0x22: {  	[dreg:$0x4] =	wrdreg $0xC0  }
0x23: {  	_ =	task [dreg:s7], $0x5FFFF  }
0x24: {  	[dreg:$0x1] =	wrdreg $0xFFFFFFFF  }
0x25: {  	[dreg:$0x0] =	wrdreg $0x60  }
0x26: {  	[dreg:$0x2] =	wrdreg s25  }
0x27: {  	[dreg:$0x3] =	wrdreg s2  }
0x28: {  	[dreg:$0x4] =	wrdreg $0x9  }
0x29: {  	_ =	task.clear_ibuf [dreg:s7], $0x5FFFF;
	_ =	strace $0x90000049  }
0x2a: {  	s29 =	simm.s32 $0x9;
	_ =	strace $0x8000004B  }
0x2b: {  	_ =	swait.ge [sflag:s29], $0x1  }
0x2c: {  	[sflag:s29] =	ssyncadd.s32 $0xFFFFFFFF  }
0x2d: {  	_ =	strace $0x9000004B  }
0x2e: {  	_ =	sfence  }
0x2f: {  	s30 =	sld [smem:$0x0];
	_ =	sdelay $0x2  }
0x30: {  	s31 =	sshll.u32 s1, $0xD;
	s1 =	sshrl.u32 s1, $0x2  }
0x31: {  	s3 =	sand.u32 $0x4000, s31;
	s1 =	sadd.s32 s1, s30  }
0x32: {  	s0 =	sor.u32 s3, s0;
	s1 =	sshll.u32 s1, $0x11  }
0x33: {  	s0 =	sor.u32 s1, s0  }
0x34: {  	s0 =	sadd.s32 $0x8F2B, s0  }
0x35: {  	[sflag:s0] =	ssyncadd.remote.s32 $0x1  }
0x36: {  	_ =	sfence.sel $0xFFFF  }
0x37: {  	[dreg:$0x0] =	wrdreg $0xFFFFFFFF;
	(pc) =	sbr.abs _section_cstart, $3  }
0x38: {  	[dreg:$0x1] =	wrdreg $0xFFFFFFFF  }
0x39: {  	_ =	task.clear_ibuf [dreg:s7], $0x2FFFF;
	_ =	strace $0x9FFFFFFF  }
0x3a: {  	(tm) =	ssettm $0x7FFFFFFF  }
0x3b: {  	_ =	shalt  }
tec
execute0_lowered:
.L_overlay_start_1:
0x0: {  	(tag) =	ssettag $0x1  }
0x1: {  	s0 =	rddreg [dreg:$0x0];
	s1 =	srdreg.scid  }
0x2: {  	_ =	strace $0x8000004A;
	s2 =	stileid.u32;
	s30 =	simm.s32 $0x1  }
0x3: {  	s31 =	simm.s32 $0x2;
	s21 =	simm.s32 $0x0;
	s10 =	simm.s32 $0x1000  }
0x4: {  	s20 =	simm.s32 $0x0;
	s22 =	simm.s32 $0x0;
	s23 =	simm.s32 $0x0  }
0x5: {  	s11 =	simm.s32 $0x0;
	s12 =	simm.s32 $0x0;
	s14 =	simm.s32 $0x0  }
0x6: {  	s16 =	simm.s32 $0x0;
	s15 =	simm.s32 $0x0;
	s17 =	simm.s32 $0x0  }
.Ltmp0:
0x7: {  	s0 =	sadd.s32 $0x800, s0;
	s29 =	sshll.u32 s1, $0x4;
	(pc) =	sbr.rel .LBB1_1-.Ltmp0, $4  }
0x8: {  	s13 =	simm.s32 $0x0;
	[dreg:$0x3] =	wrdreg s0;
	s0 =	sand.u32 $0x10, s29  }
0x9: {  	[sflag:s30] =	ssyncpa.u1 $0x0;
	s8 =	sand.u32 $0x3, s2;
	s0 =	sor.u32 s2, s0  }
0xa: {  	[sflag:s31] =	ssyncpa.u1 $0x0;
	[dreg:$0x4] =	wrdreg s8;
	s9 =	sshrl.u32 s0, $0x2  }
0xb: {  	s19 =	smov.u32 s8;
	s18 =	smov.u32 s9;
	[dreg:$0x5] =	wrdreg s9  }
.LBB1_18:
0xc: {  	s11 =	rddreg [dreg:$0x6]  }
0xd: {  	s12 =	rddreg [dreg:$0x7]  }
0xe: {  	s4 =	rddreg [dreg:$0x14]  }
0xf: {  	s5 =	rddreg [dreg:$0x15]  }
0x10: {  	s23 =	rddreg [dreg:$0x13]  }
0x11: {  	s16 =	rddreg [dreg:$0xb]  }
0x12: {  	s14 =	rddreg [dreg:$0x9]  }
0x13: {  	s27 =	rddreg [dreg:$0x1]  }
0x14: {  	s30 =	rddreg [dreg:$0x16]  }
0x15: {  	s8 =	rddreg [dreg:$0x4]  }
0x16: {  	s9 =	rddreg [dreg:$0x5]  }
0x17: {  	s13 =	rddreg [dreg:$0x8]  }
0x18: {  	s15 =	rddreg [dreg:$0xa]  }
0x19: {  	s17 =	rddreg [dreg:$0xc]  }
0x1a: {  	s18 =	rddreg [dreg:$0xd]  }
0x1b: {  	s19 =	rddreg [dreg:$0xe]  }
0x1c: {  	s10 =	simm.s32 $0x1000;
	s20 =	rddreg [dreg:$0xf];
	s0 =	sshll.u32 s11, $0x9  }
0x1d: {  	s1 =	sshll.u32 s12, $0x3;
	s2 =	sshll.u32 s11, $0x7;
	p0 =	sgt.s32 s12, $0x180  }
0x1e: {  	s3 =	smov.u32 s12;
	s24 =	sand.u32 $0x78, s12;
	s25 =	smul.u32 $0x1B0000, s16  }
0x1f: {  	s26 =	smul.u32 $0x6C00, s14;
	s28 =	sand.u32 $0x7, s12;
	s0 =	sand.u32 $0xFFFFF000, s0  }
0x20: {  	s1 =	sand.u32 $0xFFFFFC00, s1;
	s21 =	sand.u32 $0x200, s2;
	s3 =	simm.s32 @!p0 $0x180  }
0x21: {  	p0 =	sgt.s32 s11, $0x130;
	s2 =	sand.u32 $0x180, s2;
	s29 =	sshll.u32 s28, $0x12  }
0x22: {  	s0 =	sadd.s32 s1, s0;
	s1 =	smov.u32 s11;
	s3 =	sadd.s32 s4, s3  }
0x23: {  	s2 =	sor.u32 s24, s2;
	s31 =	sor.u32 $0x400, s29;
	s0 =	sor.u32 s21, s0  }
0x24: {  	s1 =	simm.s32 @!p0 $0x130;
	s4 =	sadd.s32 $0xFFFFFE80, s3;
	s0 =	sshrl.u32 s0, $0x9  }
0x25: {  	s3 =	ssub.s32 $0x200, s3;
	s2 =	sshrl.u32 s2, $0x3;
	s22 =	smulhi.u32 $0x97B426, s0  }
0x26: {  	s21 =	rddreg [dreg:$0x10];
	s1 =	sadd.s32 s5, s1;
	p0 =	sgt.s32 s4, $0x7F  }
0x27: {  	s5 =	sadd.s32 $0xFFFFFED0, s1;
	s3 =	simm.s32 @p0 $0x0;
	s4 =	smul.u32 $0x1B0, s22  }
0x28: {  	s1 =	ssub.s32 $0x1B0, s1;
	p0 =	sgt.s32 s5, $0x7F;
	s3 =	smul.u32 s23, s3  }
0x29: {  	s1 =	simm.s32 @p0 $0x0;
	s0 =	ssub.s32 s0, s4;
	s4 =	sadd.s32 s27, s25  }
0x2a: {  	s23 =	rddreg [dreg:$0x12];
	s1 =	smul.u32 s1, s3;
	s3 =	sadd.s32 s26, s4  }
0x2b: {  	s22 =	rddreg [dreg:$0x11];
	s0 =	sshll.u32 s0, $0x6;
	s2 =	sadd.s32 s2, s3  }
0x2c: {  	s1 =	sand.u32 $0x3FFFFFFF, s1;
	s4 =	sor.u32 $0x8000, s30;
	s0 =	sadd.s32 s0, s2  }
0x2d: {  	[hbm4b:s0+s31] =	stream.strided.scatter [tilespmem:s4], [sflag:$0x2], s1, s10, s31, $0x20;
	[tilespmem:$0x10100] =	vst v63  }
.LBB1_19:
0x2e: {  	p0 =	slt.u32 s13, $0x2  }
0x2f: {  	s0 =	smov.u32 s23;
	s2 =	smov.u32 s22;
	s5 =	smov.u32 s20  }
0x30: {  	s13 =	sadd.s32 $0x1, s13;
	p1 =	sgt.s32 @!p0 s23, $0x3;
	s1 =	sshra.s32 @!p0 s23, $0x1F  }
0x31: {  	s3 =	sshra.s32 @!p0 s22, $0x1F;
	p3 =	sgt.s32 @!p0 s20, $0x180;
	p1 =	por !p1, p0  }
0x32: {  	s4 =	sshra.s32 @!p0 s20, $0x1F;
	s1 =	sand.u32 @!p0 s1, s23;
	s0 =	simm.s32 @p1 $0x3  }
0x33: {  	s4 =	sand.u32 @!p0 s4, s20;
	p1 =	sgt.s32 @!p0 s22, $0x3F;
	s0 =	ssub.s32 @!p0 s0, s1  }
0x34: {  	s20 =	smov.u32 s12;
	p1 =	por !p1, p0;
	s1 =	sadd.s32 @!p0 $0xFFFFFFFD, s0  }
0x35: {  	s2 =	simm.s32 @p1 $0x3F;
	p2 =	sgt.s32 @!p0 s1, $0x0;
	s1 =	sand.u32 @!p0 s3, s22  }
0x36: {  	s0 =	ssub.s32 @!p0 $0x4, s0;
	p1 =	por !p2, p0;
	s1 =	ssub.s32 @!p0 s2, s1  }
0x37: {  	s3 =	smov.u32 s21;
	s0 =	simm.s32 @!p1 $0x0;
	s2 =	sadd.s32 @!p0 $0xFFFFFFC1, s1  }
0x38: {  	p1 =	sgt.s32 @!p0 s21, $0x130;
	p2 =	sgt.s32 @!p0 s2, $0x0;
	s2 =	sshra.s32 @!p0 s21, $0x1F  }
0x39: {  	s1 =	ssub.s32 @!p0 $0x40, s1;
	p1 =	por !p1, p0;
	s2 =	sand.u32 @!p0 s2, s21  }
0x3a: {  	s3 =	simm.s32 @p1 $0x130;
	p1 =	por !p3, p0;
	p2 =	por !p2, p0  }
0x3b: {  	s5 =	simm.s32 @p1 $0x180;
	s1 =	simm.s32 @!p2 $0x0;
	s2 =	ssub.s32 @!p0 s3, s2  }
0x3c: {  	s3 =	ssub.s32 @!p0 s5, s4;
	s0 =	smul.u32 @!p0 s0, s1;
	s1 =	sadd.s32 @!p0 $0xFFFFFED0, s2  }
0x3d: {  	s5 =	smov.u32 s17;
	s4 =	sadd.s32 @!p0 $0xFFFFFE80, s3;
	p1 =	sgt.s32 @!p0 s1, $0x7F  }
0x3e: {  	s1 =	ssub.s32 @!p0 $0x1B0, s2;
	s2 =	ssub.s32 @!p0 $0x200, s3;
	p2 =	sgt.s32 @!p0 s4, $0x7F  }
0x3f: {  	s3 =	sadd.s32 $0x80, s15;
	s4 =	sadd.s32 $0x80, s17;
	p2 =	por !p2, p0  }
0x40: {  	p1 =	por !p1, p0;
	s2 =	simm.s32 @!p2 $0x0;
	p2 =	sgt.s32 s3, $0x1AF  }
0x41: {  	s1 =	simm.s32 @!p1 $0x0;
	s0 =	smul.u32 @!p0 s2, s0;
	s5 =	smov.u32 @p2 s4  }
0x42: {  	s2 =	sadd.s32 $0x8, s18;
	s4 =	smov.u32 s18;
	p1 =	sgt.s32 s5, $0x1EF  }
0x43: {  	s3 =	simm.s32 @p2 $0x0;
	s0 =	smul.u32 @!p0 s1, s0;
	s4 =	smov.u32 @p1 s2  }
0x44: {  	s1 =	sadd.s32 $0x4, s19;
	s2 =	smov.u32 s19;
	p2 =	sgt.s32 s4, $0x3F  }
0x45: {  	s23 =	smov.u32 s16;
	s12 =	smov.u32 s17;
	s2 =	smov.u32 @p2 s1  }
0x46: {  	s16 =	smov.u32 s19;
	s5 =	simm.s32 @p1 $0x0;
	p1 =	sgt.s32 s2, $0x3  }
0x47: {  	s22 =	smov.u32 s14;
	s2 =	smov.u32 @p1 s8;
	p1 =	sne.s32 s13, $0x82  }
.Ltmp1:
0x48: {  	s14 =	smov.u32 s18;
	s21 =	smov.u32 s11;
	(pc) =	sbr.rel @!p1 .LBB1_20-.Ltmp1, $4  }
0x49: {  	s11 =	smov.u32 s15;
	s0 =	sand.u32 @!p0 $0x3FFFFFFF, s0;
	s1 =	simm.s32 @!p0 $0x2  }
0x4a: {  	s15 =	smov.u32 s3;
	s17 =	smov.u32 s5;
	_ =	swait.ge @!p0 [sflag:s1], s0  }
0x4b: {  	s4 =	smov.u32 @p2 s9;
	s0 =	ssub.s32 @!p0 $0x0, s0;
	[sflag:s1] =	ssyncset.done @!p0 $0x0  }
0x4c: {  	s18 =	smov.u32 s4;
	[sflag:s1] =	ssyncadd.s32 @!p0 s0;
	s19 =	smov.u32 s2  }
.LBB1_1:
0x4d: {  	p0 =	sgt.u32 s13, $0x7F  }
.Ltmp2:
0x4e: {  	_ = 	snop;
	(pc) =	sbr.rel @p0 .LBB1_3-.Ltmp2, $1  }
0x4f: {  	_ =	sdelay $0x3  }
0x50: {  	s0 =	sand.u32 $0x78, s15;
	s1 =	sshll.u32 s17, $0x9  }
0x51: {  	s2 =	sshll.u32 s15, $0x3;
	s3 =	sshll.u32 s17, $0x7;
	p0 =	sgt.s32 s19, $0x3  }
0x52: {  	s26 =	sshra.s32 s19, $0x1F;
	s4 =	smov.u32 s18;
	s5 =	sshra.s32 s18, $0x1F  }
0x53: {  	s29 =	sshra.s32 s17, $0x1F;
	s31 =	sshra.s32 s15, $0x1F;
	s1 =	sand.u32 $0xFFFFF000, s1  }
0x54: {  	s2 =	sand.u32 $0xFFFFFC00, s2;
	s25 =	sand.u32 $0x200, s3;
	s3 =	sand.u32 $0x180, s3  }
0x55: {  	s27 =	sand.u32 s5, s18;
	s30 =	sand.u32 s29, s17;
	s29 =	sand.u32 $0x7, s15  }
0x56: {  	s1 =	sadd.s32 s1, s2;
	s0 =	sor.u32 s0, s3;
	s2 =	smov.u32 s19  }
0x57: {  	s3 =	sand.u32 s26, s19;
	s26 =	smul.u32 $0x7C00, s18;
	s1 =	sor.u32 s25, s1  }
0x58: {  	s2 =	simm.s32 @!p0 $0x3;
	p0 =	sgt.s32 s18, $0x3F;
	s25 =	smul.u32 $0x1F0000, s19  }
0x59: {  	s0 =	sshrl.u32 s0, $0x3;
	s1 =	sshrl.u32 s1, $0x9;
	s2 =	ssub.s32 s2, s3  }
0x5a: {  	s4 =	simm.s32 @!p0 $0x3F;
	s28 =	smulhi.u32 $0x842109, s1;
	s6 =	sadd.s32 $0xFFFFFFFD, s2  }
0x5b: {  	s3 =	ssub.s32 s4, s27;
	s2 =	ssub.s32 $0x4, s2;
	p0 =	sgt.s32 s6, $0x0  }
0x5c: {  	s4 =	sadd.s32 $0xFFFFFFC1, s3;
	s3 =	ssub.s32 $0x40, s3;
	s6 =	sand.u32 s31, s15  }
0x5d: {  	s2 =	simm.s32 @p0 $0x0;
	p0 =	sgt.s32 s4, $0x0;
	s4 =	smov.u32 s17  }
0x5e: {  	s5 =	smul.u32 $0x1F0, s28;
	s3 =	simm.s32 @p0 $0x0;
	p0 =	sgt.s32 s17, $0x170  }
0x5f: {  	s28 =	rddreg [dreg:$0x3];
	s2 =	smul.u32 s2, s3;
	s4 =	simm.s32 @!p0 $0x170  }
0x60: {  	p0 =	sgt.s32 s15, $0x180;
	s3 =	ssub.s32 s4, s30;
	s4 =	smov.u32 s15  }
0x61: {  	s1 =	ssub.s32 s1, s5;
	s7 =	sadd.s32 $0xFFFFFE90, s3;
	s4 =	simm.s32 @!p0 $0x180  }
0x62: {  	s3 =	ssub.s32 $0x1F0, s3;
	p0 =	sgt.s32 s7, $0x7F;
	s4 =	ssub.s32 s4, s6  }
0x63: {  	s1 =	sshll.u32 s1, $0x6;
	s3 =	simm.s32 @p0 $0x0;
	s24 =	sadd.s32 $0xFFFFFE80, s4  }
0x64: {  	s2 =	smul.u32 s3, s2;
	p0 =	sgt.s32 s24, $0x7F;
	s3 =	ssub.s32 $0x200, s4  }
0x65: {  	s30 =	sshll.u32 s29, $0x12;
	s4 =	sadd.s32 s28, s25;
	s3 =	simm.s32 @p0 $0x0  }
0x66: {  	s7 =	sxor.u32 $0xFFFFFFFF, s13;
	s4 =	sadd.s32 s26, s4;
	s2 =	smul.u32 s3, s2  }
0x67: {  	s31 =	sor.u32 $0x400, s30;
	s6 =	sshll.u32 s7, $0xE;
	s0 =	sadd.s32 s0, s4  }
0x68: {  	s27 =	sand.u32 $0x4000, s6;
	s0 =	sadd.s32 s1, s0;
	s2 =	sand.u32 $0x3FFFFFFF, s2  }
0x69: {  	[tilespmem:s27], [sflag:$0x1] =	stream.strided.gather [hbm4b:s0+s31], s2, s10, s31, $0x38;
	[tilespmem:$0x10100] =	vst v63  }
.LBB1_3:
0x6a: {  	p0 =	seq.s32 s13, $0x0  }
0x6b: {  	p1 =	seq.s32 @!p0 s13, $0x81  }
0x6c: {  	p0 =	por p0, p1  }
.Ltmp3:
0x6d: {  	_ = 	snop;
	(pc) =	sbr.rel @p0 .LBB1_19-.Ltmp3, $1  }
0x6e: {  	_ =	sdelay $0x3  }
0x6f: {  	[dreg:$0x12] =	wrdreg s23  }
0x70: {  	[dreg:$0x11] =	wrdreg s22  }
0x71: {  	[dreg:$0x10] =	wrdreg s21  }
0x72: {  	[dreg:$0xf] =	wrdreg s20  }
0x73: {  	[dreg:$0xe] =	wrdreg s19  }
0x74: {  	[dreg:$0xd] =	wrdreg s18  }
0x75: {  	[dreg:$0xc] =	wrdreg s17  }
0x76: {  	[dreg:$0xa] =	wrdreg s15;
	p0 =	sgt.s32 s16, $0x3;
	s0 =	smov.u32 s16  }
0x77: {  	s1 =	sshra.s32 s16, $0x1F;
	s2 =	sshra.s32 s14, $0x1F;
	s19 =	ssub.s32 $0x0, s12  }
0x78: {  	s20 =	sshra.s32 s12, $0x1F;
	p1 =	sgt.s32 s12, $0x170;
	s4 =	smov.u32 s12  }
0x79: {  	s23 =	ssub.s32 $0x0, s11;
	s24 =	sshra.s32 s11, $0x1F;
	s0 =	simm.s32 @!p0 $0x3  }
0x7a: {  	s1 =	sand.u32 s1, s16;
	p0 =	sgt.s32 s14, $0x3F;
	s2 =	sand.u32 s2, s14  }
0x7b: {  	s4 =	simm.s32 @!p1 $0x170;
	s0 =	ssub.s32 s0, s1;
	s1 =	smov.u32 s14  }
0x7c: {  	s3 =	sadd.s32 $0xFFFFFFFD, s0;
	s1 =	simm.s32 @!p0 $0x3F;
	s0 =	ssub.s32 $0x4, s0  }
0x7d: {  	p0 =	sgt.s32 s3, $0x0;
	s1 =	ssub.s32 s1, s2;
	s2 =	sand.u32 s19, s20  }
0x7e: {  	s3 =	smov.u32 s11;
	s5 =	sadd.s32 $0xFFFFFFC1, s1;
	s1 =	ssub.s32 $0x40, s1  }
0x7f: {  	[dreg:$0x14] =	wrdreg s2;
	s2 =	sadd.s32 s2, s4;
	s0 =	simm.s32 @p0 $0x0  }
0x80: {  	p1 =	sgt.s32 s5, $0x0;
	s21 =	sadd.s32 $0xFFFFFE90, s2;
	s2 =	ssub.s32 $0x1F0, s2  }
0x81: {  	s1 =	simm.s32 @p1 $0x0;
	p0 =	sgt.s32 s21, $0x7F;
	p1 =	sgt.s32 s11, $0x180  }
0x82: {  	s22 =	smul.u32 s0, s1;
	s0 =	sand.u32 s23, s24;
	s3 =	simm.s32 @!p1 $0x180  }
0x83: {  	s2 =	simm.s32 @p0 $0x0;
	[dreg:$0x15] =	wrdreg s0;
	s0 =	sadd.s32 s0, s3  }
0x84: {  	[dreg:$0x6] =	wrdreg s11;
	s25 =	smul.u32 s2, s22;
	s26 =	sadd.s32 $0xFFFFFE80, s0  }
0x85: {  	s0 =	ssub.s32 $0x200, s0;
	s2 =	sadd.s32 $0x1, s16;
	p0 =	sgt.s32 s26, $0x7F  }
0x86: {  	s3 =	sadd.s32 $0x1, s14;
	s0 =	simm.s32 @p0 $0x0;
	p0 =	slt.s32 s2, $0x4  }
0x87: {  	[dreg:$0xb] =	wrdreg s16;
	s2 =	simm.s32 @!p0 $0x4;
	p0 =	slt.s32 s3, $0x40  }
0x88: {  	s1 =	sadd.s32 $0x80, s12;
	s2 =	ssub.s32 s2, s16;
	s3 =	simm.s32 @!p0 $0x40  }
0x89: {  	p1 =	slt.s32 s1, $0x1F0;
	s3 =	ssub.s32 s3, s14;
	p0 =	slt.s32 s2, $0x1  }
0x8a: {  	[dreg:$0x9] =	wrdreg s14;
	s1 =	simm.s32 @!p1 $0x1F0;
	p1 =	slt.s32 @!p0 s3, $0x1  }
0x8b: {  	[dreg:$0x7] =	wrdreg s12;
	s27 =	ssub.s32 s1, s12;
	p1 =	por p0, p1  }
0x8c: {  	[dreg:$0x8] =	wrdreg s13;
	p2 =	slt.s32 @!p1 s27, $0x1  }
0x8d: {  	[dreg:$0x13] =	wrdreg s22;
	s0 =	smul.u32 s0, s25;
	p1 =	por p1, p2  }
.Ltmp4:
0x8e: {  	s29 =	simm.s32 $0x1;
	[dreg:$0x17] =	wrdreg s2;
	(pc) =	sbr.rel @p1 .LBB1_18-.Ltmp4, $4  }
0x8f: {  	s28 =	sand.u32 $0x3FFFFFFF, s0;
	s0 =	sand.u32 $0x1, s13;
	[dreg:$0x18] =	wrdreg s3  }
0x90: {  	s31 =	smul.u32 $0x4080, s0;
	_ =	swait.ge [sflag:s29], s28  }
0x91: {  	s30 =	ssub.s32 $0x0, s28;
	[sflag:s29] =	ssyncset.done $0x0  }
0x92: {  	[dreg:$0x16] =	wrdreg s31;
	[sflag:s29] =	ssyncadd.s32 s30  }
0x93: {  	s2 =	rddreg [dreg:$0x6]  }
0x94: {  	s1 =	sadd.s32 $0x80, s2  }
0x95: {  	p1 =	slt.s32 s1, $0x1B0  }
0x96: {  	s1 =	simm.s32 @!p1 $0x1B0  }
.Ltmp5:
0x97: {  	s1 =	ssub.s32 s1, s2;
	(pc) =	sbr.rel .LBB1_6-.Ltmp5, $4  }
0x98: {  	s30 =	sshll.u32 @!p0 s0, $0xE;
	s0 =	rddreg [dreg:$0x16];
	s2 =	sadd.s32 $0xF, s1  }
0x99: {  	s31 =	sor.u32 @!p0 $0x8000, s0;
	s28 =	sand.u32 $0xFFFFFFF0, s2  }
0x9a: {  	s29 =	sand.u32 @!p0 $0xFFFFFF00, s2;
	s1 =	sshll.u32 s2, $0x3;
	p0 =	slt.s32 s2, $0x100  }
0x9b: {  	s0 =	sand.u32 $0xFFFFF800, s1;
	s1 =	simm.s32 $0x0;
	p1 =	sge.s32 s29, s28  }
.LBB1_17:
0x9c: {  	s1 =	sadd.s32 $0x1, s1;
	s2 =	rddreg [dreg:$0x17]  }
0x9d: {  	p2 =	sne.s32 s1, s2  }
.Ltmp6:
0x9e: {  	_ = 	snop;
	(pc) =	sbr.rel @!p2 .LBB1_18-.Ltmp6, $1  }
0x9f: {  	_ =	sdelay $0x3  }
.LBB1_6:
.Ltmp7:
0xa0: {  	(pc) =	sbr.rel .LBB1_7-.Ltmp7, $2  }
0xa1: {  	_ =	sdelay $0x2  }
0xa2: {  	s2 =	simm.s32 $0x0  }
.LBB1_16:
0xa3: {  	s2 =	sadd.s32 $0x1, s2;
	s3 =	rddreg [dreg:$0x18]  }
0xa4: {  	p2 =	sne.s32 s2, s3  }
.Ltmp8:
0xa5: {  	_ = 	snop;
	(pc) =	sbr.rel @!p2 .LBB1_17-.Ltmp8, $1  }
0xa6: {  	_ =	sdelay $0x3  }
.LBB1_7:
.Ltmp9:
0xa7: {  	s3 =	sadd.s32 s1, s2;
	(pc) =	sbr.rel .LBB1_8-.Ltmp9, $3  }
0xa8: {  	s4 =	sshll.u32 s3, $0x10;
	s3 =	smul.u32 $0x10200, s3;
	_ =	sdelay $0x1  }
0xa9: {  	s5 =	simm.s32 $0x400;
	s4 =	sshra.s32 s4, $0x2;
	s3 =	sshra.s32 s3, $0x2  }
0xaa: {  	s7 =	sadd.s32 s4, s30;
	s4 =	simm.s32 $0x0;
	s3 =	sadd.s32 s3, s31  }
.LBB1_15:
0xab: {  	s4 =	sadd.s32 $0x1, s4  }
0xac: {  	p2 =	sne.s32 s4, s27  }
.Ltmp10:
0xad: {  	_ = 	snop;
	(pc) =	sbr.rel @!p2 .LBB1_16-.Ltmp10, $2  }
0xae: {  	_ =	sdelay $0x2  }
0xaf: {  	s5 =	sadd.s32 $0x80, s5  }
.LBB1_8:
.Ltmp11:
0xb0: {  	(pc) =	sbr.rel @p0 .LBB1_12-.Ltmp11, $2  }
0xb1: {  	_ =	sdelay $0x2  }
0xb2: {  	s6 =	sshll.u32 s4, $0x7;
	s24 =	sand.u32 $0x7F, s4  }
0xb3: {  	s10 =	sshll.u32 s4, $0x3  }
0xb4: {  	s13 =	sand.u32 $0x380, s6;
	s8 =	sshrl.u32 s10, $0x7  }
0xb5: {  	s9 =	sadd.s32 $0x800, s10;
	s15 =	sadd.s32 $0x1000, s10;
	s18 =	sadd.s32 $0x1800, s10  }
0xb6: {  	s20 =	sadd.s32 $0x2800, s10;
	s26 =	sadd.s32 $0x3000, s10;
	s10 =	sadd.s32 $0x3800, s10  }
0xb7: {  	s11 =	sand.u32 $0x78, s8;
	s9 =	sshrl.u32 s9, $0x7;
	s17 =	sshrl.u32 s15, $0x7  }
0xb8: {  	s15 =	sshrl.u32 s18, $0x7;
	s25 =	sshrl.u32 s20, $0x7;
	s10 =	sshrl.u32 s10, $0x7  }
0xb9: {  	s16 =	sadd.s32 $0x10, s8;
	s12 =	smul.u32 $0x204, s11;
	s9 =	sand.u32 $0x78, s9  }
0xba: {  	s20 =	sadd.s32 $0x30, s8;
	s11 =	sxor.u32 $0x40, s11;
	s14 =	smul.u32 $0x204, s9  }
0xbb: {  	s19 =	sand.u32 $0x78, s15;
	s10 =	sand.u32 $0x78, s10;
	s11 =	smul.u32 $0x204, s11  }
0xbc: {  	s9 =	sadd.s32 s13, s7;
	s13 =	sand.u32 $0x78, s17;
	s10 =	smul.u32 $0x204, s10  }
0xbd: {  	s12 =	sshrl.u32 s12, $0x2;
	s13 =	smul.u32 $0x204, s13;
	v0 =	vmov s9;
	s9 =	sand.u32 $0x3C00, s5  }
0xbe: {  	s12 =	sadd.s32 s12, s3;
	s14 =	sshrl.u32 s14, $0x2;
	s11 =	sshrl.u32 s11, $0x2  }
0xbf: {  	s10 =	sshrl.u32 s10, $0x2;
	s14 =	sadd.s32 s14, s3;
	s21 =	sadd.s32 s24, s12  }
0xc0: {  	s13 =	sshrl.u32 s13, $0x2;
	s12 =	smul.u32 $0x204, s19;
	s11 =	sadd.s32 s11, s3  }
0xc1: {  	s19 =	sadd.s32 $0x20, s8;
	s10 =	sadd.s32 s10, s3;
	s13 =	sadd.s32 s13, s3  }
0xc2: {  	s23 =	sadd.s32 s24, s13;
	s12 =	sshrl.u32 s12, $0x2;
	s13 =	sand.u32 $0x78, s25  }
0xc3: {  	s22 =	sadd.s32 s24, s14;
	s12 =	sadd.s32 s12, s3;
	s13 =	smul.u32 $0x204, s13  }
0xc4: {  	s17 =	sadd.s32 s24, s11;
	s18 =	sadd.s32 s24, s12;
	s12 =	sshrl.u32 s26, $0x7  }
0xc5: {  	s25 =	sadd.s32 $0x50, s8;
	s14 =	sshrl.u32 s13, $0x2;
	s11 =	sand.u32 $0x78, s12  }
0xc6: {  	s12 =	sadd.s32 s14, s3;
	s15 =	smul.u32 $0x204, s11;
	s14 =	sand.u32 $0x78, s19  }
0xc7: {  	s19 =	sadd.s32 s24, s10;
	s11 =	sadd.s32 s24, s12;
	s12 =	sand.u32 $0x78, s16  }
0xc8: {  	s14 =	smul.u32 $0x204, s14;
	s16 =	sadd.s32 $0x60, s8;
	s8 =	sadd.s32 $0x70, s8  }
0xc9: {  	s13 =	sshrl.u32 s15, $0x2;
	s12 =	smul.u32 $0x204, s12;
	s15 =	sand.u32 $0x78, s25  }
0xca: {  	s26 =	sand.u32 $0x78, s16;
	s8 =	sand.u32 $0x78, s8;
	s25 =	smul.u32 $0x204, s15  }
0xcb: {  	s14 =	sshrl.u32 s14, $0x2;
	s16 =	smul.u32 $0x204, s26;
	s12 =	sshrl.u32 s12, $0x2  }
0xcc: {  	v1 =	vld.idx.msk [tilespmem:v0+s9+$0x0 ss:$0x1], $0xffff;
	s8 =	smul.u32 $0x204, s8;
	s14 =	sadd.s32 s14, s3;
	s10 =	sadd.s32 s12, s3  }
0xcd: {  	s12 =	sand.u32 $0x78, s20;
	s20 =	sadd.s32 s24, s14;
	s14 =	sshrl.u32 s25, $0x2  }
0xce: {  	s25 =	sshrl.u32 s16, $0x2;
	s8 =	sshrl.u32 s8, $0x2;
	s15 =	sadd.s32 s24, s10  }
0xcf: {  	s10 =	sadd.s32 s14, s3;
	s14 =	sadd.s32 s25, s3;
	s26 =	sadd.s32 s8, s3  }
0xd0: {  	s8 =	sadd.s32 s24, s14;
	s14 =	sadd.s32 s24, s26;
	s26 =	sadd.s32 $0xFFFFFC00, s5  }
0xd1: {  	[tilespmem:s21+$0x0 ss:$0x81] =	vst.msk $0xffff, v1;
	v1 =	vld.idx.msk [tilespmem:v0+s9+$0x20 ss:$0x1], $0xffff;
	s16 =	sadd.s32 s24, s10;
	s10 =	sand.u32 $0x3C00, s26  }
0xd2: {  	v2 =	vld.idx.msk [tilespmem:v0+s10+$0x70 ss:$0x1], $0xffff  }
0xd3: {  	v3 =	vld.idx.msk [tilespmem:v0+s10+$0x0 ss:$0x1], $0xffff  }
0xd4: {  	v4 =	vld.idx.msk [tilespmem:v0+s10+$0x10 ss:$0x1], $0xffff  }
0xd5: {  	v5 =	vld.idx.msk [tilespmem:v0+s10+$0x20 ss:$0x1], $0xffff  }
0xd6: {  	v6 =	vld.idx.msk [tilespmem:v0+s10+$0x30 ss:$0x1], $0xffff  }
0xd7: {  	v7 =	vld.idx.msk [tilespmem:v0+s10+$0x40 ss:$0x1], $0xffff;
	[tilespmem:s19+$0x0 ss:$0x81] =	vst.msk $0xffff, v2  }
0xd8: {  	v8 =	vld.idx.msk [tilespmem:v0+s10+$0x50 ss:$0x1], $0xffff;
	[tilespmem:s21+$0x0 ss:$0x81] =	vst.msk $0xffff, v3  }
0xd9: {  	p2 =	sgt.s32 s29, $0x100;
	s12 =	smul.u32 $0x204, s12;
	v9 =	vld.idx.msk [tilespmem:v0+s10+$0x60 ss:$0x1], $0xffff;
	[tilespmem:s22+$0x0 ss:$0x81] =	vst.msk $0xffff, v4  }
.Ltmp12:
0xda: {  	v4 =	vld.idx.msk [tilespmem:v0+s9+$0x10 ss:$0x1], $0xffff;
	[tilespmem:s23+$0x0 ss:$0x81] =	vst.msk $0xffff, v5;
	(pc) =	sbr.rel @!p2 .LBB1_11-.Ltmp12, $4  }
0xdb: {  	[tilespmem:s18+$0x0 ss:$0x81] =	vst.msk $0xffff, v6;
	v2 =	vld.idx.msk [tilespmem:v0+s9+$0x30 ss:$0x1], $0xffff  }
0xdc: {  	s13 =	sadd.s32 s13, s3;
	s12 =	sshrl.u32 s12, $0x2;
	[tilespmem:s17+$0x0 ss:$0x81] =	vst.msk $0xffff, v7;
	v3 =	vld.idx.msk [tilespmem:v0+s9+$0x40 ss:$0x1], $0xffff  }
0xdd: {  	s13 =	sadd.s32 s24, s13;
	s12 =	sadd.s32 s12, s3;
	[tilespmem:s11+$0x0 ss:$0x81] =	vst.msk $0xffff, v8;
	v5 =	vld.idx.msk [tilespmem:v0+s9+$0x50 ss:$0x1], $0xffff  }
0xde: {  	s25 =	sadd.s32 $0x800, s5;
	s10 =	simm.s32 $0x100;
	s12 =	sadd.s32 s24, s12;
	[tilespmem:s13+$0x0 ss:$0x81] =	vst.msk $0xffff, v9;
	v6 =	vld.idx.msk [tilespmem:v0+s9+$0x60 ss:$0x1], $0xffff  }
.LBB1_10:
0xdf: {  	s26 =	sadd.s32 $0xFFFFFC00, s25;
	s10 =	sadd.s32 $0x100, s10;
	[tilespmem:s15+$0x0 ss:$0x81] =	vst.msk $0xffff, v4;
	v4 =	vld.idx.msk [tilespmem:v0+s9+$0x70 ss:$0x1], $0xffff;
	s9 =	sand.u32 $0x3C00, s25  }
0xe0: {  	s26 =	sand.u32 $0x3C00, s26;
	v7 =	vld.idx.msk [tilespmem:v0+s9+$0x0 ss:$0x1], $0xffff;
	p2 =	slt.s32 s10, s29;
	[tilespmem:s20+$0x0 ss:$0x81] =	vst.msk $0xffff, v1  }
0xe1: {  	v1 =	vld.idx.msk [tilespmem:v0+s26+$0x70 ss:$0x1], $0xffff;
	[tilespmem:s12+$0x0 ss:$0x81] =	vst.msk $0xffff, v2  }
0xe2: {  	v2 =	vld.idx.msk [tilespmem:v0+s26+$0x0 ss:$0x1], $0xffff;
	[tilespmem:s17+$0x0 ss:$0x81] =	vst.msk $0xffff, v3  }
0xe3: {  	v3 =	vld.idx.msk [tilespmem:v0+s26+$0x10 ss:$0x1], $0xffff;
	[tilespmem:s16+$0x0 ss:$0x81] =	vst.msk $0xffff, v5  }
0xe4: {  	v5 =	vld.idx.msk [tilespmem:v0+s26+$0x20 ss:$0x1], $0xffff;
	[tilespmem:s8+$0x0 ss:$0x81] =	vst.msk $0xffff, v6  }
0xe5: {  	v6 =	vld.idx.msk [tilespmem:v0+s26+$0x30 ss:$0x1], $0xffff;
	[tilespmem:s14+$0x0 ss:$0x81] =	vst.msk $0xffff, v4  }
0xe6: {  	v8 =	vld.idx.msk [tilespmem:v0+s26+$0x40 ss:$0x1], $0xffff;
	[tilespmem:s21+$0x0 ss:$0x81] =	vst.msk $0xffff, v7  }
0xe7: {  	v7 =	vld.idx.msk [tilespmem:v0+s26+$0x50 ss:$0x1], $0xffff;
	[tilespmem:s19+$0x0 ss:$0x81] =	vst.msk $0xffff, v1  }
0xe8: {  	[tilespmem:s21+$0x0 ss:$0x81] =	vst.msk $0xffff, v2;
	v9 =	vld.idx.msk [tilespmem:v0+s26+$0x60 ss:$0x1], $0xffff  }
0xe9: {  	[tilespmem:s22+$0x0 ss:$0x81] =	vst.msk $0xffff, v3;
	v4 =	vld.idx.msk [tilespmem:v0+s9+$0x10 ss:$0x1], $0xffff  }
.Ltmp13:
0xea: {  	[tilespmem:s23+$0x0 ss:$0x81] =	vst.msk $0xffff, v5;
	v1 =	vld.idx.msk [tilespmem:v0+s9+$0x20 ss:$0x1], $0xffff;
	(pc) =	sbr.rel @p2 .LBB1_10-.Ltmp13, $4  }
0xeb: {  	[tilespmem:s18+$0x0 ss:$0x81] =	vst.msk $0xffff, v6;
	v2 =	vld.idx.msk [tilespmem:v0+s9+$0x30 ss:$0x1], $0xffff  }
0xec: {  	[tilespmem:s17+$0x0 ss:$0x81] =	vst.msk $0xffff, v8;
	v3 =	vld.idx.msk [tilespmem:v0+s9+$0x40 ss:$0x1], $0xffff  }
0xed: {  	[tilespmem:s11+$0x0 ss:$0x81] =	vst.msk $0xffff, v7;
	v5 =	vld.idx.msk [tilespmem:v0+s9+$0x50 ss:$0x1], $0xffff  }
0xee: {  	s25 =	sadd.s32 $0x800, s25;
	[tilespmem:s13+$0x0 ss:$0x81] =	vst.msk $0xffff, v9;
	v6 =	vld.idx.msk [tilespmem:v0+s9+$0x60 ss:$0x1], $0xffff  }
.LBB1_11:
0xef: {  	_ =	sdelay $0x2  }
0xf0: {  	[tilespmem:s15+$0x0 ss:$0x81] =	vst.msk $0xffff, v4  }
0xf1: {  	v0 =	vld.idx.msk [tilespmem:v0+s9+$0x70 ss:$0x1], $0xffff;
	[tilespmem:s20+$0x0 ss:$0x81] =	vst.msk $0xffff, v1  }
0xf2: {  	[tilespmem:s12+$0x0 ss:$0x81] =	vst.msk $0xffff, v2  }
0xf3: {  	[tilespmem:s17+$0x0 ss:$0x81] =	vst.msk $0xffff, v3  }
0xf4: {  	[tilespmem:s16+$0x0 ss:$0x81] =	vst.msk $0xffff, v5  }
0xf5: {  	[tilespmem:s8+$0x0 ss:$0x81] =	vst.msk $0xffff, v6  }
0xf6: {  	[tilespmem:s14+$0x0 ss:$0x81] =	vst.msk $0xffff, v0  }
.LBB1_12:
.Ltmp14:
0xf7: {  	(pc) =	sbr.rel @p1 .LBB1_15-.Ltmp14, $1  }
0xf8: {  	_ =	sdelay $0x3  }
0xf9: {  	s9 =	sand.u32 $0x380, s6;
	s8 =	sshrl.u32 s4, $0x4;
	s10 =	sadd.s32 s24, s3  }
0xfa: {  	s11 =	smov.u32 s0;
	s12 =	smov.u32 s29;
	s9 =	sadd.s32 s9, s7  }
.LBB1_14:
0xfb: {  	s13 =	sand.u32 $0x3C00, s11  }
0xfc: {  	s13 =	sadd.s32 s6, s13  }
0xfd: {  	s13 =	sand.u32 $0x3C00, s13  }
0xfe: {  	s14 =	sand.u32 $0x70, s12;
	s25 =	sadd.s32 s12, s8;
	s13 =	sadd.s32 s13, s9  }
0xff: {  	s12 =	sadd.s32 $0x10, s12;
	s26 =	sand.u32 $0x78, s25;
	s13 =	sadd.s32 s14, s13  }
0x100: {  	p2 =	slt.s32 s12, s28;
	v0 =	vld [tilespmem:s13+$0x0];
	s13 =	smul.u32 $0x204, s26  }
.Ltmp15:
0x101: {  	_ = 	snop;
	(pc) =	sbr.rel @p2 .LBB1_14-.Ltmp15, $4  }
0x102: {  	_ = 	snop  }
0x103: {  	s13 =	sshrl.u32 s13, $0x2  }
0x104: {  	s13 =	sadd.s32 s13, s10  }
0x105: {  	s11 =	sadd.s32 $0x80, s11;
	[tilespmem:s13+$0x0 ss:$0x81] =	vst.msk $0xffff, v0  }
.Ltmp16:
0x106: {  	_ = 	snop;
	(pc) =	sbr.rel .LBB1_15-.Ltmp16, $1  }
0x107: {  	_ =	sdelay $0x3  }
.LBB1_20:
0x108: {  	_ =	sfence.sel $0x180000  }
0x109: {  	s0 =	simm.s32 $0x1;
	[bflag:$0x0] =	sbarrier.arrive $0xFFFF  }
0x10a: {  	s30 =	simm.s32 $0x2;
	[sflag:s0] =	ssyncpa.u1 $0x1  }
0x10b: {  	[sflag:s30] =	ssyncpa.u1 $0x1  }
0x10c: {  	_ =	strace $0x9000004A  }
0x10d: {  	s31 =	stileid.u32;
	[bflag:$0x2] =	sbarrier.arrive $0xFFFF  }
0x10e: {  	p0 =	sne.s32 s31, $0x0;
	s0 =	rddreg [dreg:$0x2]  }
0x10f: {  	s0 =	sadd.s32 @!p0 $0x100000, s0  }
0x110: {  	[sflag:s0] =	ssyncadd.tile.s32 @!p0 $0x1;
	_ =	shalt  }
.Lfunc_end1:
_tile_overlayer_lowered:
.L_overlay_start_2:
0x111: {  	(tag) =	ssettag $0x2  }
0x112: {  	s0 =	rddreg [dreg:$0x0];
	s2 =	stileid.u32  }
0x113: {  	s1 =	rddreg [dreg:$0x1];
	p0 =	sne.s32 s2, $0x0  }
0x114: {  	s3 =	rddreg [dreg:$0x2];
	[bflag:$0x3] =	sbarrier.arrive $0xFFFF;
	s2 =	simm.s32 @!p0 $0x1C01  }
0x115: {  	[timem:s3], [sflag:s2] =	dma.local @!p0 [hbm:s0], s1  }
0x116: {  	s0 =	simm.s32 @!p0 $0x1  }
0x117: {  	_ =	swait.ge @!p0 [sflag:s0], s1  }
0x118: {  	s1 =	ssub.s32 @!p0 $0x0, s1;
	[sflag:s0] =	ssyncset.done @!p0 $0x0  }
0x119: {  	[sflag:s0] =	ssyncadd.s32 @!p0 s1  }
0x11a: {  	[bflag:$0x3] =	sbarrier.arrive $0xFFFF  }
0x11b: {  	_ =	shalt  }

</sc_bundles>
